<compile_context>
chip_gen: v7x
topology: tpu7x:2x2x1
jax: 0.10.2.dev20260603
libtpu: 0.0.44.dev20260713+nightly
codegen_flags: <defaults>
</compile_context>

<pallas_src>
import functools

import jax
import jax.numpy as jnp
from jax import lax
from jax.experimental import pallas as pl
from jax.experimental.pallas import tpu as pltpu
from jax.experimental.pallas import tpu_sc as plsc

N = 10000
E = 160000
F = 256

L = 16
NV = F // L
NC = 2
NS = 16
NW = NC * NS
CHUNK = 80
NCHUNKS = E // CHUNK
NCH_MAX = 64


def _matmul_body(x_ref, w_ref, y_ref):
    y_ref[...] = jnp.dot(x_ref[...], w_ref[...],
                         preferred_element_type=jnp.float32)


def _tc_matmul(x, w):
    blk = 1000
    return pl.pallas_call(
        _matmul_body,
        grid=(N // blk,),
        in_specs=[
            pl.BlockSpec((blk, F), lambda i: (i, 0)),
            pl.BlockSpec((F, F), lambda i: (0, 0)),
        ],
        out_specs=pl.BlockSpec((blk, F), lambda i: (i, 0)),
        out_shape=jax.ShapeDtypeStruct((N, F), jnp.float32),
    )(x, w)


def _sc_edge_body(y_hbm, idx_hbm, d_hbm, pmax_hbm, cov_hbm,
                  idx0, idx1, d0, d1, rs0, rs1, rd0, rd1, acc_v, ones_v,
                  zero_v, cov_sh,
                  sem_i0, sem_i1, sem_w0, sem_w1,
                  sem_s0, sem_s1, sem_d0, sem_d1):
    cid = lax.axis_index("c")
    sid = lax.axis_index("s")
    wid = cid * NS + sid

    for k in range(CHUNK // L):
        ones_v[pl.ds(k * L, L)] = jnp.ones((L,), jnp.int32)

    @pl.when(sid == 0)
    def _():
        def zbody(k, carry):
            zero_v[pl.ds(k * L, L)] = jnp.zeros((L,), jnp.int32)
            return carry
        lax.fori_loop(0, N // L, zbody, 0)
        pltpu.sync_copy(zero_v, cov_sh)

    plsc.subcore_barrier()

    bufs = (
        (idx0, d0, rs0, rd0, sem_i0, sem_w0, sem_s0, sem_d0),
        (idx1, d1, rs1, rd1, sem_i1, sem_w1, sem_s1, sem_d1),
    )

    def chunk_id(j):
        return wid + j * NW

    def issue_meta(j, b):
        c = chunk_id(j)
        idx_v, d_v = bufs[b][0], bufs[b][1]
        @pl.when(c < NCHUNKS)
        def _():
            pltpu.async_copy(idx_hbm.at[c], idx_v, bufs[b][4])
            pltpu.async_copy(d_hbm.at[c], d_v, bufs[b][5])

    def issue_rows(j, b):
        c = chunk_id(j)
        idx_v, d_v, rs, rd = bufs[b][0], bufs[b][1], bufs[b][2], bufs[b][3]
        @pl.when(c < NCHUNKS)
        def _():
            pltpu.make_async_copy(idx_hbm.at[c], idx_v, bufs[b][4]).wait()
            pltpu.make_async_copy(d_hbm.at[c], d_v, bufs[b][5]).wait()
            pltpu.async_copy(y_hbm.at[idx_v.at[0]], rs, bufs[b][6])
            pltpu.async_copy(y_hbm.at[idx_v.at[1]], rd, bufs[b][7])
            pltpu.sync_copy(ones_v, cov_sh.at[idx_v.at[1]], add=True)

    def consume(j, b, accs):
        c = chunk_id(j)
        valid = c < NCHUNKS
        idx_v, d_v, rs, rd = bufs[b][0], bufs[b][1], bufs[b][2], bufs[b][3]
        @pl.when(valid)
        def _():
            pltpu.make_async_copy(y_hbm.at[idx_v.at[0]], rs, bufs[b][6]).wait()
            pltpu.make_async_copy(y_hbm.at[idx_v.at[1]], rd, bufs[b][7]).wait()

        def edge_body(i, accs):
            d_bcast = d_v[i, pl.ds(0, L)]
            new = []
            for f in range(NV):
                s = rs[i, pl.ds(f * L, L)] + rd[i, pl.ds(f * L, L)]
                new.append(jnp.maximum(accs[f], s * d_bcast))
            return tuple(new)

        cand = lax.fori_loop(0, CHUNK, edge_body, accs)
        return tuple(jnp.where(valid, cn, ao) for cn, ao in zip(cand, accs))

    issue_meta(0, 0)
    issue_meta(1, 1)
    issue_rows(0, 0)

    def step(k, accs):
        for half in range(2):
            j = 2 * k + half
            b = half
            issue_rows(j + 1, 1 - b)
            accs = consume(j, b, accs)
            issue_meta(j + 2, b)
        return accs

    accs = tuple(jnp.full((L,), -jnp.inf, jnp.float32) for _ in range(NV))
    accs = lax.fori_loop(0, NCH_MAX // 2, step, accs)

    for f in range(NV):
        acc_v[pl.ds(f * L, L)] = accs[f]
    pltpu.sync_copy(acc_v, pmax_hbm.at[wid])

    plsc.subcore_barrier()

    @pl.when(sid == 0)
    def _():
        pltpu.sync_copy(cov_sh, cov_hbm.at[cid])


_sc_edge = functools.partial(
    pl.kernel,
    mesh=plsc.VectorSubcoreMesh(core_axis_name="c", subcore_axis_name="s"),
    out_type=[
        jax.ShapeDtypeStruct((NW, F), jnp.float32),
        jax.ShapeDtypeStruct((NC, N), jnp.int32),
    ],
    scratch_types=[
        pltpu.VMEM((2, CHUNK), jnp.int32),
        pltpu.VMEM((2, CHUNK), jnp.int32),
        pltpu.VMEM((CHUNK, L), jnp.float32),
        pltpu.VMEM((CHUNK, L), jnp.float32),
        pltpu.VMEM((CHUNK, F), jnp.float32),
        pltpu.VMEM((CHUNK, F), jnp.float32),
        pltpu.VMEM((CHUNK, F), jnp.float32),
        pltpu.VMEM((CHUNK, F), jnp.float32),
        pltpu.VMEM((F,), jnp.float32),
        pltpu.VMEM((CHUNK,), jnp.int32),
        pltpu.VMEM((N,), jnp.int32),
        pltpu.VMEM_SHARED((N,), jnp.int32),
        pltpu.SemaphoreType.DMA,
        pltpu.SemaphoreType.DMA,
        pltpu.SemaphoreType.DMA,
        pltpu.SemaphoreType.DMA,
        pltpu.SemaphoreType.DMA,
        pltpu.SemaphoreType.DMA,
        pltpu.SemaphoreType.DMA,
        pltpu.SemaphoreType.DMA,
    ],
)(_sc_edge_body)


def _combine_body(pmax_ref, cov_ref, b_ref, out_ref):
    m = jnp.max(pmax_ref[...], axis=0, keepdims=True) + b_ref[...]
    indeg = cov_ref[0:1, :] + cov_ref[1:2, :]
    has_empty = jnp.min(indeg) == 0
    out_ref[...] = jnp.where(has_empty, jnp.maximum(m, 0.0), m)


def _tc_combine(pmax, cov, b):
    return pl.pallas_call(
        _combine_body,
        out_shape=jax.ShapeDtypeStruct((1, F), jnp.float32),
    )(pmax, cov, b)


@jax.jit
def kernel(x, edge_index, edge_d, theta_W, theta_b):
    src = edge_index[0].astype(jnp.int32)
    dst = edge_index[1].astype(jnp.int32)
    y = _tc_matmul(x, theta_W)
    idx = jnp.stack(
        [src.reshape(NCHUNKS, CHUNK), dst.reshape(NCHUNKS, CHUNK)], axis=1)
    d_rep = jnp.broadcast_to(
        edge_d[:, None], (E, L)).reshape(NCHUNKS, CHUNK, L)
    pmax, cov = _sc_edge(y, idx, d_rep)
    return _tc_combine(pmax, cov, theta_b.reshape(1, F))

# --- scband reference (transcript-rebuilt; emitter-appended) ---
"""Pipeline reference for scband-erconv-22213570855009 (READ-ONLY COPY).

The authoritative reference and input builder live on the scoring server;
editing this copy changes nothing except your own understanding.
"""

import jax, jax.numpy as jnp
import numpy as np

N = 10000
E = 160000
IN_FEAT = 256
OUT_FEAT = 256


def setup_inputs(seed: int = 0) -> dict:
    key = jax.random.key(seed)
    k1, k2, k3, k4 = jax.random.split(key, 4)
    x = jax.random.normal(k1, (N, IN_FEAT), dtype=jnp.float32)
    edge_index = jax.random.randint(k2, (2, E), 0, N, dtype=jnp.int64)
    edge_d = jax.random.uniform(k3, (E,), dtype=jnp.float32)
    theta_W = jax.random.normal(k4, (IN_FEAT, OUT_FEAT), dtype=jnp.float32) * (1.0 / np.sqrt(IN_FEAT))
    theta_b = jnp.zeros((OUT_FEAT,), dtype=jnp.float32)
    return {"x": x, "edge_index": edge_index, "edge_d": edge_d, "theta_W": theta_W, "theta_b": theta_b}


def reference(x, edge_index, edge_d, theta_W, theta_b):
    src = edge_index[0]
    dst = edge_index[1]
    # message: theta((src_h + dst_h) * d)
    gathered = (x[src] + x[dst]) * edge_d[:, None]
    msg = gathered @ theta_W + theta_b  # [E, OUT_FEAT]
    # reduce: max over incoming edges per destination node
    h = jax.ops.segment_max(msg, dst, num_segments=N)  # [N, OUT_FEAT]
    # DGL fills zero-in-degree nodes with 0 for max reduce
    h = jnp.where(jnp.isneginf(h), 0.0, h)
    # dgl.max_nodes readout (single graph): max over nodes
    out = jnp.max(h, axis=0, keepdims=True)  # [1, OUT_FEAT]
    return out

if __name__ == "__main__":
    import jax
    _d = setup_inputs()
    print(jax.jit(kernel)(*tuple(_d.values())))

</pallas_src>

<mosaic_0001>
#map = affine_map<(d0, d1) -> (0, 0)>
#map1 = affine_map<(d0, d1) -> (0, 0, 0)>
module attributes {stable_mosaic.version = 14 : i64} {
  func.func @_sc_edge_body(%arg0: i32, %arg1: i32, %arg2: memref<10000x256xf32, #tpu.memory_space<hbm>>, %arg3: memref<2000x2x80xi32, #tpu.memory_space<hbm>>, %arg4: memref<2000x80x16xf32, #tpu.memory_space<hbm>>, %arg5: memref<32x256xf32, #tpu.memory_space<hbm>>, %arg6: memref<2x10000xi32, #tpu.memory_space<hbm>>, %arg7: memref<2x80xi32, #tpu.memory_space<vmem>>, %arg8: memref<2x80xi32, #tpu.memory_space<vmem>>, %arg9: memref<80x16xf32, #tpu.memory_space<vmem>>, %arg10: memref<80x16xf32, #tpu.memory_space<vmem>>, %arg11: memref<80x256xf32, #tpu.memory_space<vmem>>, %arg12: memref<80x256xf32, #tpu.memory_space<vmem>>, %arg13: memref<80x256xf32, #tpu.memory_space<vmem>>, %arg14: memref<80x256xf32, #tpu.memory_space<vmem>>, %arg15: memref<256xf32, #tpu.memory_space<vmem>>, %arg16: memref<80xi32, #tpu.memory_space<vmem>>, %arg17: memref<10000xi32, #tpu.memory_space<vmem>>, %arg18: memref<10000xi32, #tpu.memory_space<vmem_shared>>, %arg19: memref<!tpu.dma_semaphore, #tpu.memory_space<semaphore_mem>>, %arg20: memref<!tpu.dma_semaphore, #tpu.memory_space<semaphore_mem>>, %arg21: memref<!tpu.dma_semaphore, #tpu.memory_space<semaphore_mem>>, %arg22: memref<!tpu.dma_semaphore, #tpu.memory_space<semaphore_mem>>, %arg23: memref<!tpu.dma_semaphore, #tpu.memory_space<semaphore_mem>>, %arg24: memref<!tpu.dma_semaphore, #tpu.memory_space<semaphore_mem>>, %arg25: memref<!tpu.dma_semaphore, #tpu.memory_space<semaphore_mem>>, %arg26: memref<!tpu.dma_semaphore, #tpu.memory_space<semaphore_mem>>) attributes {dimension_semantics = [#tpu.dimension_semantics<core_parallel>, #tpu.dimension_semantics<subcore_parallel>], iteration_bounds = array<i64: 2, 16>, scalar_prefetch = 0 : i64, scratch_operands = 20 : i64, tpu.core_type = #tpu.core_type<sc_vector_subcore>, window_params = [{transform_indices = #map}, {transform_indices = #map1}, {transform_indices = #map1}, {transform_indices = #map}, {transform_indices = #map}]} {
    %mul3A = arith.constant 16 : i32
    %mul3A_0 = arith.muli %arg0, %mul3A : i32
    %add3A = arith.addi %mul3A_0, %arg1 : i32
    %broadcast_in_dim3A = arith.constant 1 : i32
    %broadcast_in_dim3A_1 = vector.broadcast %broadcast_in_dim3A : i32 to vector<16xi32>
    %swap3A = arith.constant 0 : index
    %swap3A_2 = tpu.vector_load %arg16[%swap3A] {strides = array<i32>} : memref<80xi32, #tpu.memory_space<vmem>>, vector<16xi32>,
    %swap3A_3 = vector.shape_cast %swap3A_2 : vector<16xi32> to vector<16xi32>
    %swap3A_4 = vector.shape_cast %broadcast_in_dim3A_1 : vector<16xi32> to vector<16xi32>
    tpu.vector_store %arg16[%swap3A], %swap3A_4 {strides = array<i32>} : memref<80xi32, #tpu.memory_space<vmem>>, vector<16xi32>,
    %broadcast_in_dim3A_5 = arith.constant 1 : i32
    %broadcast_in_dim3A_6 = vector.broadcast %broadcast_in_dim3A_5 : i32 to vector<16xi32>
    %swap3A_7 = arith.constant 16 : index
    %swap3A_8 = tpu.vector_load %arg16[%swap3A_7] {strides = array<i32>} : memref<80xi32, #tpu.memory_space<vmem>>, vector<16xi32>,
    %swap3A_9 = vector.shape_cast %swap3A_8 : vector<16xi32> to vector<16xi32>
    %swap3A_10 = vector.shape_cast %broadcast_in_dim3A_6 : vector<16xi32> to vector<16xi32>
    tpu.vector_store %arg16[%swap3A_7], %swap3A_10 {strides = array<i32>} : memref<80xi32, #tpu.memory_space<vmem>>, vector<16xi32>,
    %broadcast_in_dim3A_11 = arith.constant 1 : i32
    %broadcast_in_dim3A_12 = vector.broadcast %broadcast_in_dim3A_11 : i32 to vector<16xi32>
    %swap3A_13 = arith.constant 32 : index
    %swap3A_14 = tpu.vector_load %arg16[%swap3A_13] {strides = array<i32>} : memref<80xi32, #tpu.memory_space<vmem>>, vector<16xi32>,
    %swap3A_15 = vector.shape_cast %swap3A_14 : vector<16xi32> to vector<16xi32>
    %swap3A_16 = vector.shape_cast %broadcast_in_dim3A_12 : vector<16xi32> to vector<16xi32>
    tpu.vector_store %arg16[%swap3A_13], %swap3A_16 {strides = array<i32>} : memref<80xi32, #tpu.memory_space<vmem>>, vector<16xi32>,
    %broadcast_in_dim3A_17 = arith.constant 1 : i32
    %broadcast_in_dim3A_18 = vector.broadcast %broadcast_in_dim3A_17 : i32 to vector<16xi32>
    %swap3A_19 = arith.constant 48 : index
    %swap3A_20 = tpu.vector_load %arg16[%swap3A_19] {strides = array<i32>} : memref<80xi32, #tpu.memory_space<vmem>>, vector<16xi32>,
    %swap3A_21 = vector.shape_cast %swap3A_20 : vector<16xi32> to vector<16xi32>
    %swap3A_22 = vector.shape_cast %broadcast_in_dim3A_18 : vector<16xi32> to vector<16xi32>
    tpu.vector_store %arg16[%swap3A_19], %swap3A_22 {strides = array<i32>} : memref<80xi32, #tpu.memory_space<vmem>>, vector<16xi32>,
    %broadcast_in_dim3A_23 = arith.constant 1 : i32
    %broadcast_in_dim3A_24 = vector.broadcast %broadcast_in_dim3A_23 : i32 to vector<16xi32>
    %swap3A_25 = arith.constant 64 : index
    %swap3A_26 = tpu.vector_load %arg16[%swap3A_25] {strides = array<i32>} : memref<80xi32, #tpu.memory_space<vmem>>, vector<16xi32>,
    %swap3A_27 = vector.shape_cast %swap3A_26 : vector<16xi32> to vector<16xi32>
    %swap3A_28 = vector.shape_cast %broadcast_in_dim3A_24 : vector<16xi32> to vector<16xi32>
    tpu.vector_store %arg16[%swap3A_25], %swap3A_28 {strides = array<i32>} : memref<80xi32, #tpu.memory_space<vmem>>, vector<16xi32>,
    %eq3A = arith.constant 0 : i32
    %eq3A_29 = arith.cmpi eq, %arg1, %eq3A : i32
    %convert_element_type3A = arith.extui %eq3A_29 : i1 to i32
    %cond3A = arith.constant 0 : i32
    %cond3A_30 = arith.cmpi ne, %convert_element_type3A, %cond3A : i32
    scf.if %cond3A_30 {
      %scan3A_158 = arith.constant 0 : i32
      %scan3A_159 = arith.constant 0 : i32
      %scan3A_160 = arith.constant 625 : i32
      %scan3A_161 = arith.addi %scan3A_159, %scan3A_160 : i32
      %scan3A_162 = arith.constant 1 : i32
      scf.for %scan3A_164 = %scan3A_159 to %scan3A_161 step %scan3A_162  : i32 {
        %broadcast_in_dim3A_165 = arith.constant 0 : i32
        %broadcast_in_dim3A_166 = vector.broadcast %broadcast_in_dim3A_165 : i32 to vector<16xi32>
        %mul3A_167 = arith.constant 16 : i32
        %mul3A_168 = arith.muli %scan3A_164, %mul3A_167 : i32
        %swap3A_169 = arith.index_cast %mul3A_168 : i32 to index
        %swap3A_170 = tpu.vector_load %arg17[%swap3A_169] {strides = array<i32>} : memref<10000xi32, #tpu.memory_space<vmem>>, vector<16xi32>,
        %swap3A_171 = vector.shape_cast %swap3A_170 : vector<16xi32> to vector<16xi32>
        %swap3A_172 = vector.shape_cast %broadcast_in_dim3A_166 : vector<16xi32> to vector<16xi32>
        tpu.vector_store %arg17[%swap3A_169], %swap3A_172 {strides = array<i32>} : memref<10000xi32, #tpu.memory_space<vmem>>, vector<16xi32>,
      }
      %scan3A_163 = arith.constant 625 : i32
      "tpu.region"() ({
        %run_scoped3A = tpu.sem_alloc : memref<!tpu.dma_semaphore, #tpu.memory_space<semaphore_mem>>
        tpu.enqueue_dma source(%arg17 : memref<10000xi32, #tpu.memory_space<vmem>>) target(%arg18 : memref<10000xi32, #tpu.memory_space<vmem_shared>>) target_semaphore(%run_scoped3A : memref<!tpu.dma_semaphore, #tpu.memory_space<semaphore_mem>>)
        tpu.wait_dma2 semaphore(%run_scoped3A : memref<!tpu.dma_semaphore, #tpu.memory_space<semaphore_mem>>) src(%arg17 : memref<10000xi32, #tpu.memory_space<vmem>>) dst(%arg18 : memref<10000xi32, #tpu.memory_space<vmem_shared>>)
        tpu.yield
      }) : () -> ()
    } else {
    }
    %barrier3A = arith.constant 0 : index
    tpu.barrier barrier_id(%barrier3A)
    %add3A_31 = arith.constant 0 : i32
    %add3A_32 = arith.addi %add3A, %add3A_31 : i32
    %lt3A = arith.constant 2000 : i32
    %lt3A_33 = arith.cmpi slt, %add3A_32, %lt3A : i32
    %convert_element_type3A_34 = arith.extui %lt3A_33 : i1 to i32
    %cond3A_35 = arith.constant 0 : i32
    %cond3A_36 = arith.cmpi ne, %convert_element_type3A_34, %cond3A_35 : i32
    scf.if %cond3A_36 {
      %dma_start3A = arith.constant 0 : i32
      %dma_start3A_158 = arith.constant 0 : i32
      %dma_start3A_159 = tpu.memref_slice %arg3[%add3A_32, %dma_start3A, %dma_start3A_158] : memref<2000x2x80xi32, #tpu.memory_space<hbm>> -> memref<1x2x80xi32, #tpu.memory_space<hbm>>
      %dma_start3A_160 = tpu.memref_squeeze %dma_start3A_159 : memref<1x2x80xi32, #tpu.memory_space<hbm>> -> memref<2x80xi32, #tpu.memory_space<hbm>>
      %dma_start3A_161 = arith.constant 0 : i32
      %dma_start3A_162 = arith.constant 0 : i32
      %dma_start3A_163 = tpu.memref_slice %arg3[%add3A_32, %dma_start3A_161, %dma_start3A_162] : memref<2000x2x80xi32, #tpu.memory_space<hbm>> -> memref<1x2x80xi32, #tpu.memory_space<hbm>>
      %dma_start3A_164 = tpu.memref_squeeze %dma_start3A_163 : memref<1x2x80xi32, #tpu.memory_space<hbm>> -> memref<2x80xi32, #tpu.memory_space<hbm>>
      tpu.enqueue_dma source(%dma_start3A_164 : memref<2x80xi32, #tpu.memory_space<hbm>>) target(%arg7 : memref<2x80xi32, #tpu.memory_space<vmem>>) target_semaphore(%arg19 : memref<!tpu.dma_semaphore, #tpu.memory_space<semaphore_mem>>)
      %dma_start3A_165 = arith.constant 0 : i32
      %dma_start3A_166 = arith.constant 0 : i32
      %dma_start3A_167 = tpu.memref_slice %arg4[%add3A_32, %dma_start3A_165, %dma_start3A_166] : memref<2000x80x16xf32, #tpu.memory_space<hbm>> -> memref<1x80x16xf32, #tpu.memory_space<hbm>>
      %dma_start3A_168 = tpu.memref_squeeze %dma_start3A_167 : memref<1x80x16xf32, #tpu.memory_space<hbm>> -> memref<80x16xf32, #tpu.memory_space<hbm>>
      %dma_start3A_169 = arith.constant 0 : i32
      %dma_start3A_170 = arith.constant 0 : i32
      %dma_start3A_171 = tpu.memref_slice %arg4[%add3A_32, %dma_start3A_169, %dma_start3A_170] : memref<2000x80x16xf32, #tpu.memory_space<hbm>> -> memref<1x80x16xf32, #tpu.memory_space<hbm>>
      %dma_start3A_172 = tpu.memref_squeeze %dma_start3A_171 : memref<1x80x16xf32, #tpu.memory_space<hbm>> -> memref<80x16xf32, #tpu.memory_space<hbm>>
      tpu.enqueue_dma source(%dma_start3A_172 : memref<80x16xf32, #tpu.memory_space<hbm>>) target(%arg9 : memref<80x16xf32, #tpu.memory_space<vmem>>) target_semaphore(%arg21 : memref<!tpu.dma_semaphore, #tpu.memory_space<semaphore_mem>>)
    } else {
    }
    %add3A_37 = arith.constant 32 : i32
    %add3A_38 = arith.addi %add3A, %add3A_37 : i32
    %lt3A_39 = arith.constant 2000 : i32
    %lt3A_40 = arith.cmpi slt, %add3A_38, %lt3A_39 : i32
    %convert_element_type3A_41 = arith.extui %lt3A_40 : i1 to i32
    %cond3A_42 = arith.constant 0 : i32
    %cond3A_43 = arith.cmpi ne, %convert_element_type3A_41, %cond3A_42 : i32
    scf.if %cond3A_43 {
      %dma_start3A = arith.constant 0 : i32
      %dma_start3A_158 = arith.constant 0 : i32
      %dma_start3A_159 = tpu.memref_slice %arg3[%add3A_38, %dma_start3A, %dma_start3A_158] : memref<2000x2x80xi32, #tpu.memory_space<hbm>> -> memref<1x2x80xi32, #tpu.memory_space<hbm>>
      %dma_start3A_160 = tpu.memref_squeeze %dma_start3A_159 : memref<1x2x80xi32, #tpu.memory_space<hbm>> -> memref<2x80xi32, #tpu.memory_space<hbm>>
      %dma_start3A_161 = arith.constant 0 : i32
      %dma_start3A_162 = arith.constant 0 : i32
      %dma_start3A_163 = tpu.memref_slice %arg3[%add3A_38, %dma_start3A_161, %dma_start3A_162] : memref<2000x2x80xi32, #tpu.memory_space<hbm>> -> memref<1x2x80xi32, #tpu.memory_space<hbm>>
      %dma_start3A_164 = tpu.memref_squeeze %dma_start3A_163 : memref<1x2x80xi32, #tpu.memory_space<hbm>> -> memref<2x80xi32, #tpu.memory_space<hbm>>
      tpu.enqueue_dma source(%dma_start3A_164 : memref<2x80xi32, #tpu.memory_space<hbm>>) target(%arg8 : memref<2x80xi32, #tpu.memory_space<vmem>>) target_semaphore(%arg20 : memref<!tpu.dma_semaphore, #tpu.memory_space<semaphore_mem>>)
      %dma_start3A_165 = arith.constant 0 : i32
      %dma_start3A_166 = arith.constant 0 : i32
      %dma_start3A_167 = tpu.memref_slice %arg4[%add3A_38, %dma_start3A_165, %dma_start3A_166] : memref<2000x80x16xf32, #tpu.memory_space<hbm>> -> memref<1x80x16xf32, #tpu.memory_space<hbm>>
      %dma_start3A_168 = tpu.memref_squeeze %dma_start3A_167 : memref<1x80x16xf32, #tpu.memory_space<hbm>> -> memref<80x16xf32, #tpu.memory_space<hbm>>
      %dma_start3A_169 = arith.constant 0 : i32
      %dma_start3A_170 = arith.constant 0 : i32
      %dma_start3A_171 = tpu.memref_slice %arg4[%add3A_38, %dma_start3A_169, %dma_start3A_170] : memref<2000x80x16xf32, #tpu.memory_space<hbm>> -> memref<1x80x16xf32, #tpu.memory_space<hbm>>
      %dma_start3A_172 = tpu.memref_squeeze %dma_start3A_171 : memref<1x80x16xf32, #tpu.memory_space<hbm>> -> memref<80x16xf32, #tpu.memory_space<hbm>>
      tpu.enqueue_dma source(%dma_start3A_172 : memref<80x16xf32, #tpu.memory_space<hbm>>) target(%arg10 : memref<80x16xf32, #tpu.memory_space<vmem>>) target_semaphore(%arg22 : memref<!tpu.dma_semaphore, #tpu.memory_space<semaphore_mem>>)
    } else {
    }
    %add3A_44 = arith.constant 0 : i32
    %add3A_45 = arith.addi %add3A, %add3A_44 : i32
    %lt3A_46 = arith.constant 2000 : i32
    %lt3A_47 = arith.cmpi slt, %add3A_45, %lt3A_46 : i32
    %convert_element_type3A_48 = arith.extui %lt3A_47 : i1 to i32
    %cond3A_49 = arith.constant 0 : i32
    %cond3A_50 = arith.cmpi ne, %convert_element_type3A_48, %cond3A_49 : i32
    scf.if %cond3A_50 {
      %dma_wait3A = arith.constant 0 : i32
      %dma_wait3A_158 = arith.constant 0 : i32
      %dma_wait3A_159 = tpu.memref_slice %arg3[%add3A_45, %dma_wait3A, %dma_wait3A_158] : memref<2000x2x80xi32, #tpu.memory_space<hbm>> -> memref<1x2x80xi32, #tpu.memory_space<hbm>>
      %dma_wait3A_160 = tpu.memref_squeeze %dma_wait3A_159 : memref<1x2x80xi32, #tpu.memory_space<hbm>> -> memref<2x80xi32, #tpu.memory_space<hbm>>
      %dma_wait3A_161 = arith.constant 0 : i32
      %dma_wait3A_162 = arith.constant 0 : i32
      %dma_wait3A_163 = tpu.memref_slice %arg3[%add3A_45, %dma_wait3A_161, %dma_wait3A_162] : memref<2000x2x80xi32, #tpu.memory_space<hbm>> -> memref<1x2x80xi32, #tpu.memory_space<hbm>>
      %dma_wait3A_164 = tpu.memref_squeeze %dma_wait3A_163 : memref<1x2x80xi32, #tpu.memory_space<hbm>> -> memref<2x80xi32, #tpu.memory_space<hbm>>
      tpu.wait_dma2 semaphore(%arg19 : memref<!tpu.dma_semaphore, #tpu.memory_space<semaphore_mem>>) src(%dma_wait3A_164 : memref<2x80xi32, #tpu.memory_space<hbm>>) dst(%arg7 : memref<2x80xi32, #tpu.memory_space<vmem>>)
      %dma_wait3A_165 = arith.constant 0 : i32
      %dma_wait3A_166 = arith.constant 0 : i32
      %dma_wait3A_167 = tpu.memref_slice %arg4[%add3A_45, %dma_wait3A_165, %dma_wait3A_166] : memref<2000x80x16xf32, #tpu.memory_space<hbm>> -> memref<1x80x16xf32, #tpu.memory_space<hbm>>
      %dma_wait3A_168 = tpu.memref_squeeze %dma_wait3A_167 : memref<1x80x16xf32, #tpu.memory_space<hbm>> -> memref<80x16xf32, #tpu.memory_space<hbm>>
      %dma_wait3A_169 = arith.constant 0 : i32
      %dma_wait3A_170 = arith.constant 0 : i32
      %dma_wait3A_171 = tpu.memref_slice %arg4[%add3A_45, %dma_wait3A_169, %dma_wait3A_170] : memref<2000x80x16xf32, #tpu.memory_space<hbm>> -> memref<1x80x16xf32, #tpu.memory_space<hbm>>
      %dma_wait3A_172 = tpu.memref_squeeze %dma_wait3A_171 : memref<1x80x16xf32, #tpu.memory_space<hbm>> -> memref<80x16xf32, #tpu.memory_space<hbm>>
      tpu.wait_dma2 semaphore(%arg21 : memref<!tpu.dma_semaphore, #tpu.memory_space<semaphore_mem>>) src(%dma_wait3A_172 : memref<80x16xf32, #tpu.memory_space<hbm>>) dst(%arg9 : memref<80x16xf32, #tpu.memory_space<vmem>>)
      %dma_start3A = arith.constant 0 : i32
      %dma_start3A_173 = arith.constant 0 : i32
      %dma_start3A_174 = tpu.memref_slice %arg7[%dma_start3A, %dma_start3A_173] : memref<2x80xi32, #tpu.memory_space<vmem>> -> memref<1x80xi32, #tpu.memory_space<vmem>>
      %dma_start3A_175 = tpu.memref_squeeze %dma_start3A_174 : memref<1x80xi32, #tpu.memory_space<vmem>> -> memref<80xi32, #tpu.memory_space<vmem>>
      %dma_start3A_176 = arith.constant 0 : i32
      %dma_start3A_177 = arith.constant 0 : i32
      %dma_start3A_178 = tpu.memref_slice %arg2[%dma_start3A_176, %dma_start3A_177] : memref<10000x256xf32, #tpu.memory_space<hbm>> -> memref<10000x256xf32, #tpu.memory_space<hbm>>
      tpu.enqueue_indirect_dma source(%dma_start3A_178 : memref<10000x256xf32, #tpu.memory_space<hbm>>) target(%arg11 : memref<80x256xf32, #tpu.memory_space<vmem>>) offsets(%dma_start3A_175 : memref<80xi32, #tpu.memory_space<vmem>>) semaphore(%arg23 : memref<!tpu.dma_semaphore, #tpu.memory_space<semaphore_mem>>)
      %dma_start3A_179 = arith.constant 1 : i32
      %dma_start3A_180 = arith.constant 0 : i32
      %dma_start3A_181 = tpu.memref_slice %arg7[%dma_start3A_179, %dma_start3A_180] : memref<2x80xi32, #tpu.memory_space<vmem>> -> memref<1x80xi32, #tpu.memory_space<vmem>>
      %dma_start3A_182 = tpu.memref_squeeze %dma_start3A_181 : memref<1x80xi32, #tpu.memory_space<vmem>> -> memref<80xi32, #tpu.memory_space<vmem>>
      %dma_start3A_183 = arith.constant 0 : i32
      %dma_start3A_184 = arith.constant 0 : i32
      %dma_start3A_185 = tpu.memref_slice %arg2[%dma_start3A_183, %dma_start3A_184] : memref<10000x256xf32, #tpu.memory_space<hbm>> -> memref<10000x256xf32, #tpu.memory_space<hbm>>
      tpu.enqueue_indirect_dma source(%dma_start3A_185 : memref<10000x256xf32, #tpu.memory_space<hbm>>) target(%arg13 : memref<80x256xf32, #tpu.memory_space<vmem>>) offsets(%dma_start3A_182 : memref<80xi32, #tpu.memory_space<vmem>>) semaphore(%arg25 : memref<!tpu.dma_semaphore, #tpu.memory_space<semaphore_mem>>)
      %run_scoped3A = arith.constant 1 : i32
      "tpu.region"() ({
        %run_scoped3A_186 = tpu.sem_alloc : memref<!tpu.dma_semaphore, #tpu.memory_space<semaphore_mem>>
        %dma_start3A_187 = arith.constant 0 : i32
        %dma_start3A_188 = tpu.memref_slice %arg7[%run_scoped3A, %dma_start3A_187] : memref<2x80xi32, #tpu.memory_space<vmem>> -> memref<1x80xi32, #tpu.memory_space<vmem>>
        %dma_start3A_189 = tpu.memref_squeeze %dma_start3A_188 : memref<1x80xi32, #tpu.memory_space<vmem>> -> memref<80xi32, #tpu.memory_space<vmem>>
        %dma_start3A_190 = arith.constant 0 : i32
        %dma_start3A_191 = tpu.memref_slice %arg18[%dma_start3A_190] : memref<10000xi32, #tpu.memory_space<vmem_shared>> -> memref<10000xi32, #tpu.memory_space<vmem_shared>>
        tpu.enqueue_indirect_dma source(%arg16 : memref<80xi32, #tpu.memory_space<vmem>>) target(%dma_start3A_191 : memref<10000xi32, #tpu.memory_space<vmem_shared>>) offsets(%dma_start3A_189 : memref<80xi32, #tpu.memory_space<vmem>>) semaphore(%run_scoped3A_186 : memref<!tpu.dma_semaphore, #tpu.memory_space<semaphore_mem>>) {add = true}
        %dma_wait3A_192 = arith.constant 0 : i32
        %dma_wait3A_193 = tpu.memref_slice %arg7[%run_scoped3A, %dma_wait3A_192] : memref<2x80xi32, #tpu.memory_space<vmem>> -> memref<1x80xi32, #tpu.memory_space<vmem>>
        %dma_wait3A_194 = tpu.memref_squeeze %dma_wait3A_193 : memref<1x80xi32, #tpu.memory_space<vmem>> -> memref<80xi32, #tpu.memory_space<vmem>>
        %dma_wait3A_195 = arith.constant 0 : i32
        %dma_wait3A_196 = tpu.memref_slice %arg18[%dma_wait3A_195] : memref<10000xi32, #tpu.memory_space<vmem_shared>> -> memref<10000xi32, #tpu.memory_space<vmem_shared>>
        tpu.wait_indirect_dma semaphore(%run_scoped3A_186 : memref<!tpu.dma_semaphore, #tpu.memory_space<semaphore_mem>>) src(%arg16 : memref<80xi32, #tpu.memory_space<vmem>>) dst(%dma_wait3A_196 : memref<10000xi32, #tpu.memory_space<vmem_shared>>)
        tpu.yield
      }) : () -> ()
    } else {
    }
    %broadcast_in_dim3A_51 = arith.constant 0xFF800000 : f32
    %broadcast_in_dim3A_52 = vector.broadcast %broadcast_in_dim3A_51 : f32 to vector<16xf32>
    %broadcast_in_dim3A_53 = arith.constant 0xFF800000 : f32
    %broadcast_in_dim3A_54 = vector.broadcast %broadcast_in_dim3A_53 : f32 to vector<16xf32>
    %broadcast_in_dim3A_55 = arith.constant 0xFF800000 : f32
    %broadcast_in_dim3A_56 = vector.broadcast %broadcast_in_dim3A_55 : f32 to vector<16xf32>
    %broadcast_in_dim3A_57 = arith.constant 0xFF800000 : f32
    %broadcast_in_dim3A_58 = vector.broadcast %broadcast_in_dim3A_57 : f32 to vector<16xf32>
    %broadcast_in_dim3A_59 = arith.constant 0xFF800000 : f32
    %broadcast_in_dim3A_60 = vector.broadcast %broadcast_in_dim3A_59 : f32 to vector<16xf32>
    %broadcast_in_dim3A_61 = arith.constant 0xFF800000 : f32
    %broadcast_in_dim3A_62 = vector.broadcast %broadcast_in_dim3A_61 : f32 to vector<16xf32>
    %broadcast_in_dim3A_63 = arith.constant 0xFF800000 : f32
    %broadcast_in_dim3A_64 = vector.broadcast %broadcast_in_dim3A_63 : f32 to vector<16xf32>
    %broadcast_in_dim3A_65 = arith.constant 0xFF800000 : f32
    %broadcast_in_dim3A_66 = vector.broadcast %broadcast_in_dim3A_65 : f32 to vector<16xf32>
    %broadcast_in_dim3A_67 = arith.constant 0xFF800000 : f32
    %broadcast_in_dim3A_68 = vector.broadcast %broadcast_in_dim3A_67 : f32 to vector<16xf32>
    %broadcast_in_dim3A_69 = arith.constant 0xFF800000 : f32
    %broadcast_in_dim3A_70 = vector.broadcast %broadcast_in_dim3A_69 : f32 to vector<16xf32>
    %broadcast_in_dim3A_71 = arith.constant 0xFF800000 : f32
    %broadcast_in_dim3A_72 = vector.broadcast %broadcast_in_dim3A_71 : f32 to vector<16xf32>
    %broadcast_in_dim3A_73 = arith.constant 0xFF800000 : f32
    %broadcast_in_dim3A_74 = vector.broadcast %broadcast_in_dim3A_73 : f32 to vector<16xf32>
    %broadcast_in_dim3A_75 = arith.constant 0xFF800000 : f32
    %broadcast_in_dim3A_76 = vector.broadcast %broadcast_in_dim3A_75 : f32 to vector<16xf32>
    %broadcast_in_dim3A_77 = arith.constant 0xFF800000 : f32
    %broadcast_in_dim3A_78 = vector.broadcast %broadcast_in_dim3A_77 : f32 to vector<16xf32>
    %broadcast_in_dim3A_79 = arith.constant 0xFF800000 : f32
    %broadcast_in_dim3A_80 = vector.broadcast %broadcast_in_dim3A_79 : f32 to vector<16xf32>
    %broadcast_in_dim3A_81 = arith.constant 0xFF800000 : f32
    %broadcast_in_dim3A_82 = vector.broadcast %broadcast_in_dim3A_81 : f32 to vector<16xf32>
    %scan3A = arith.constant 0 : i32
    %scan3A_83 = arith.constant 32 : i32
    %scan3A_84 = arith.addi %scan3A, %scan3A_83 : i32
    %scan3A_85 = arith.constant 1 : i32
    %scan3A_86:16 = scf.for %scan3A_158 = %scan3A to %scan3A_84 step %scan3A_85 iter_args(%scan3A_159 = %broadcast_in_dim3A_52, %scan3A_160 = %broadcast_in_dim3A_54, %scan3A_161 = %broadcast_in_dim3A_56, %scan3A_162 = %broadcast_in_dim3A_58, %scan3A_163 = %broadcast_in_dim3A_60, %scan3A_164 = %broadcast_in_dim3A_62, %scan3A_165 = %broadcast_in_dim3A_64, %scan3A_166 = %broadcast_in_dim3A_66, %scan3A_167 = %broadcast_in_dim3A_68, %scan3A_168 = %broadcast_in_dim3A_70, %scan3A_169 = %broadcast_in_dim3A_72, %scan3A_170 = %broadcast_in_dim3A_74, %scan3A_171 = %broadcast_in_dim3A_76, %scan3A_172 = %broadcast_in_dim3A_78, %scan3A_173 = %broadcast_in_dim3A_80, %scan3A_174 = %broadcast_in_dim3A_82) -> (vector<16xf32>, vector<16xf32>, vector<16xf32>, vector<16xf32>, vector<16xf32>, vector<16xf32>, vector<16xf32>, vector<16xf32>, vector<16xf32>, vector<16xf32>, vector<16xf32>, vector<16xf32>, vector<16xf32>, vector<16xf32>, vector<16xf32>, vector<16xf32>)  : i32 {
      %mul3A_175 = arith.constant 2 : i32
      %mul3A_176 = arith.muli %mul3A_175, %scan3A_158 : i32
      %add3A_177 = arith.constant 0 : i32
      %add3A_178 = arith.addi %mul3A_176, %add3A_177 : i32
      %add3A_179 = arith.constant 1 : i32
      %add3A_180 = arith.addi %add3A_178, %add3A_179 : i32
      %mul3A_181 = arith.constant 32 : i32
      %mul3A_182 = arith.muli %add3A_180, %mul3A_181 : i32
      %add3A_183 = arith.addi %add3A, %mul3A_182 : i32
      %lt3A_184 = arith.constant 2000 : i32
      %lt3A_185 = arith.cmpi slt, %add3A_183, %lt3A_184 : i32
      %convert_element_type3A_186 = arith.extui %lt3A_185 : i1 to i32
      %cond3A_187 = arith.constant 0 : i32
      %cond3A_188 = arith.cmpi ne, %convert_element_type3A_186, %cond3A_187 : i32
      scf.if %cond3A_188 {
        %dma_wait3A = arith.constant 0 : i32
        %dma_wait3A_282 = arith.constant 0 : i32
        %dma_wait3A_283 = tpu.memref_slice %arg3[%add3A_183, %dma_wait3A, %dma_wait3A_282] : memref<2000x2x80xi32, #tpu.memory_space<hbm>> -> memref<1x2x80xi32, #tpu.memory_space<hbm>>
        %dma_wait3A_284 = tpu.memref_squeeze %dma_wait3A_283 : memref<1x2x80xi32, #tpu.memory_space<hbm>> -> memref<2x80xi32, #tpu.memory_space<hbm>>
        %dma_wait3A_285 = arith.constant 0 : i32
        %dma_wait3A_286 = arith.constant 0 : i32
        %dma_wait3A_287 = tpu.memref_slice %arg3[%add3A_183, %dma_wait3A_285, %dma_wait3A_286] : memref<2000x2x80xi32, #tpu.memory_space<hbm>> -> memref<1x2x80xi32, #tpu.memory_space<hbm>>
        %dma_wait3A_288 = tpu.memref_squeeze %dma_wait3A_287 : memref<1x2x80xi32, #tpu.memory_space<hbm>> -> memref<2x80xi32, #tpu.memory_space<hbm>>
        tpu.wait_dma2 semaphore(%arg20 : memref<!tpu.dma_semaphore, #tpu.memory_space<semaphore_mem>>) src(%dma_wait3A_288 : memref<2x80xi32, #tpu.memory_space<hbm>>) dst(%arg8 : memref<2x80xi32, #tpu.memory_space<vmem>>)
        %dma_wait3A_289 = arith.constant 0 : i32
        %dma_wait3A_290 = arith.constant 0 : i32
        %dma_wait3A_291 = tpu.memref_slice %arg4[%add3A_183, %dma_wait3A_289, %dma_wait3A_290] : memref<2000x80x16xf32, #tpu.memory_space<hbm>> -> memref<1x80x16xf32, #tpu.memory_space<hbm>>
        %dma_wait3A_292 = tpu.memref_squeeze %dma_wait3A_291 : memref<1x80x16xf32, #tpu.memory_space<hbm>> -> memref<80x16xf32, #tpu.memory_space<hbm>>
        %dma_wait3A_293 = arith.constant 0 : i32
        %dma_wait3A_294 = arith.constant 0 : i32
        %dma_wait3A_295 = tpu.memref_slice %arg4[%add3A_183, %dma_wait3A_293, %dma_wait3A_294] : memref<2000x80x16xf32, #tpu.memory_space<hbm>> -> memref<1x80x16xf32, #tpu.memory_space<hbm>>
        %dma_wait3A_296 = tpu.memref_squeeze %dma_wait3A_295 : memref<1x80x16xf32, #tpu.memory_space<hbm>> -> memref<80x16xf32, #tpu.memory_space<hbm>>
        tpu.wait_dma2 semaphore(%arg22 : memref<!tpu.dma_semaphore, #tpu.memory_space<semaphore_mem>>) src(%dma_wait3A_296 : memref<80x16xf32, #tpu.memory_space<hbm>>) dst(%arg10 : memref<80x16xf32, #tpu.memory_space<vmem>>)
        %dma_start3A = arith.constant 0 : i32
        %dma_start3A_297 = arith.constant 0 : i32
        %dma_start3A_298 = tpu.memref_slice %arg8[%dma_start3A, %dma_start3A_297] : memref<2x80xi32, #tpu.memory_space<vmem>> -> memref<1x80xi32, #tpu.memory_space<vmem>>
        %dma_start3A_299 = tpu.memref_squeeze %dma_start3A_298 : memref<1x80xi32, #tpu.memory_space<vmem>> -> memref<80xi32, #tpu.memory_space<vmem>>
        %dma_start3A_300 = arith.constant 0 : i32
        %dma_start3A_301 = arith.constant 0 : i32
        %dma_start3A_302 = tpu.memref_slice %arg2[%dma_start3A_300, %dma_start3A_301] : memref<10000x256xf32, #tpu.memory_space<hbm>> -> memref<10000x256xf32, #tpu.memory_space<hbm>>
        tpu.enqueue_indirect_dma source(%dma_start3A_302 : memref<10000x256xf32, #tpu.memory_space<hbm>>) target(%arg12 : memref<80x256xf32, #tpu.memory_space<vmem>>) offsets(%dma_start3A_299 : memref<80xi32, #tpu.memory_space<vmem>>) semaphore(%arg24 : memref<!tpu.dma_semaphore, #tpu.memory_space<semaphore_mem>>)
        %dma_start3A_303 = arith.constant 1 : i32
        %dma_start3A_304 = arith.constant 0 : i32
        %dma_start3A_305 = tpu.memref_slice %arg8[%dma_start3A_303, %dma_start3A_304] : memref<2x80xi32, #tpu.memory_space<vmem>> -> memref<1x80xi32, #tpu.memory_space<vmem>>
        %dma_start3A_306 = tpu.memref_squeeze %dma_start3A_305 : memref<1x80xi32, #tpu.memory_space<vmem>> -> memref<80xi32, #tpu.memory_space<vmem>>
        %dma_start3A_307 = arith.constant 0 : i32
        %dma_start3A_308 = arith.constant 0 : i32
        %dma_start3A_309 = tpu.memref_slice %arg2[%dma_start3A_307, %dma_start3A_308] : memref<10000x256xf32, #tpu.memory_space<hbm>> -> memref<10000x256xf32, #tpu.memory_space<hbm>>
        tpu.enqueue_indirect_dma source(%dma_start3A_309 : memref<10000x256xf32, #tpu.memory_space<hbm>>) target(%arg14 : memref<80x256xf32, #tpu.memory_space<vmem>>) offsets(%dma_start3A_306 : memref<80xi32, #tpu.memory_space<vmem>>) semaphore(%arg26 : memref<!tpu.dma_semaphore, #tpu.memory_space<semaphore_mem>>)
        %run_scoped3A = arith.constant 1 : i32
        "tpu.region"() ({
          %run_scoped3A_310 = tpu.sem_alloc : memref<!tpu.dma_semaphore, #tpu.memory_space<semaphore_mem>>
          %dma_start3A_311 = arith.constant 0 : i32
          %dma_start3A_312 = tpu.memref_slice %arg8[%run_scoped3A, %dma_start3A_311] : memref<2x80xi32, #tpu.memory_space<vmem>> -> memref<1x80xi32, #tpu.memory_space<vmem>>
          %dma_start3A_313 = tpu.memref_squeeze %dma_start3A_312 : memref<1x80xi32, #tpu.memory_space<vmem>> -> memref<80xi32, #tpu.memory_space<vmem>>
          %dma_start3A_314 = arith.constant 0 : i32
          %dma_start3A_315 = tpu.memref_slice %arg18[%dma_start3A_314] : memref<10000xi32, #tpu.memory_space<vmem_shared>> -> memref<10000xi32, #tpu.memory_space<vmem_shared>>
          tpu.enqueue_indirect_dma source(%arg16 : memref<80xi32, #tpu.memory_space<vmem>>) target(%dma_start3A_315 : memref<10000xi32, #tpu.memory_space<vmem_shared>>) offsets(%dma_start3A_313 : memref<80xi32, #tpu.memory_space<vmem>>) semaphore(%run_scoped3A_310 : memref<!tpu.dma_semaphore, #tpu.memory_space<semaphore_mem>>) {add = true}
          %dma_wait3A_316 = arith.constant 0 : i32
          %dma_wait3A_317 = tpu.memref_slice %arg8[%run_scoped3A, %dma_wait3A_316] : memref<2x80xi32, #tpu.memory_space<vmem>> -> memref<1x80xi32, #tpu.memory_space<vmem>>
          %dma_wait3A_318 = tpu.memref_squeeze %dma_wait3A_317 : memref<1x80xi32, #tpu.memory_space<vmem>> -> memref<80xi32, #tpu.memory_space<vmem>>
          %dma_wait3A_319 = arith.constant 0 : i32
          %dma_wait3A_320 = tpu.memref_slice %arg18[%dma_wait3A_319] : memref<10000xi32, #tpu.memory_space<vmem_shared>> -> memref<10000xi32, #tpu.memory_space<vmem_shared>>
          tpu.wait_indirect_dma semaphore(%run_scoped3A_310 : memref<!tpu.dma_semaphore, #tpu.memory_space<semaphore_mem>>) src(%arg16 : memref<80xi32, #tpu.memory_space<vmem>>) dst(%dma_wait3A_320 : memref<10000xi32, #tpu.memory_space<vmem_shared>>)
          tpu.yield
        }) : () -> ()
      } else {
      }
      %mul3A_189 = arith.constant 32 : i32
      %mul3A_190 = arith.muli %add3A_178, %mul3A_189 : i32
      %add3A_191 = arith.addi %add3A, %mul3A_190 : i32
      %lt3A_192 = arith.constant 2000 : i32
      %lt3A_193 = arith.cmpi slt, %add3A_191, %lt3A_192 : i32
      %convert_element_type3A_194 = arith.extui %lt3A_193 : i1 to i32
      %cond3A_195 = arith.constant 0 : i32
      %cond3A_196 = arith.cmpi ne, %convert_element_type3A_194, %cond3A_195 : i32
      scf.if %cond3A_196 {
        %dma_wait3A = arith.constant 0 : i32
        %dma_wait3A_282 = arith.constant 0 : i32
        %dma_wait3A_283 = tpu.memref_slice %arg7[%dma_wait3A, %dma_wait3A_282] : memref<2x80xi32, #tpu.memory_space<vmem>> -> memref<1x80xi32, #tpu.memory_space<vmem>>
        %dma_wait3A_284 = tpu.memref_squeeze %dma_wait3A_283 : memref<1x80xi32, #tpu.memory_space<vmem>> -> memref<80xi32, #tpu.memory_space<vmem>>
        %dma_wait3A_285 = arith.constant 0 : i32
        %dma_wait3A_286 = arith.constant 0 : i32
        %dma_wait3A_287 = tpu.memref_slice %arg2[%dma_wait3A_285, %dma_wait3A_286] : memref<10000x256xf32, #tpu.memory_space<hbm>> -> memref<10000x256xf32, #tpu.memory_space<hbm>>
        tpu.wait_indirect_dma semaphore(%arg23 : memref<!tpu.dma_semaphore, #tpu.memory_space<semaphore_mem>>) src(%dma_wait3A_287 : memref<10000x256xf32, #tpu.memory_space<hbm>>) dst(%arg11 : memref<80x256xf32, #tpu.memory_space<vmem>>)
        %dma_wait3A_288 = arith.constant 1 : i32
        %dma_wait3A_289 = arith.constant 0 : i32
        %dma_wait3A_290 = tpu.memref_slice %arg7[%dma_wait3A_288, %dma_wait3A_289] : memref<2x80xi32, #tpu.memory_space<vmem>> -> memref<1x80xi32, #tpu.memory_space<vmem>>
        %dma_wait3A_291 = tpu.memref_squeeze %dma_wait3A_290 : memref<1x80xi32, #tpu.memory_space<vmem>> -> memref<80xi32, #tpu.memory_space<vmem>>
        %dma_wait3A_292 = arith.constant 0 : i32
        %dma_wait3A_293 = arith.constant 0 : i32
        %dma_wait3A_294 = tpu.memref_slice %arg2[%dma_wait3A_292, %dma_wait3A_293] : memref<10000x256xf32, #tpu.memory_space<hbm>> -> memref<10000x256xf32, #tpu.memory_space<hbm>>
        tpu.wait_indirect_dma semaphore(%arg25 : memref<!tpu.dma_semaphore, #tpu.memory_space<semaphore_mem>>) src(%dma_wait3A_294 : memref<10000x256xf32, #tpu.memory_space<hbm>>) dst(%arg13 : memref<80x256xf32, #tpu.memory_space<vmem>>)
      } else {
      }
      %scan3A_197 = arith.constant 0 : i32
      %scan3A_198 = arith.constant 80 : i32
      %scan3A_199 = arith.addi %scan3A_197, %scan3A_198 : i32
      %scan3A_200 = arith.constant 1 : i32
      %scan3A_201:16 = scf.for %scan3A_282 = %scan3A_197 to %scan3A_199 step %scan3A_200 iter_args(%scan3A_283 = %scan3A_159, %scan3A_284 = %scan3A_160, %scan3A_285 = %scan3A_161, %scan3A_286 = %scan3A_162, %scan3A_287 = %scan3A_163, %scan3A_288 = %scan3A_164, %scan3A_289 = %scan3A_165, %scan3A_290 = %scan3A_166, %scan3A_291 = %scan3A_167, %scan3A_292 = %scan3A_168, %scan3A_293 = %scan3A_169, %scan3A_294 = %scan3A_170, %scan3A_295 = %scan3A_171, %scan3A_296 = %scan3A_172, %scan3A_297 = %scan3A_173, %scan3A_298 = %scan3A_174) -> (vector<16xf32>, vector<16xf32>, vector<16xf32>, vector<16xf32>, vector<16xf32>, vector<16xf32>, vector<16xf32>, vector<16xf32>, vector<16xf32>, vector<16xf32>, vector<16xf32>, vector<16xf32>, vector<16xf32>, vector<16xf32>, vector<16xf32>, vector<16xf32>)  : i32 {
        %get3A = arith.index_cast %scan3A_282 : i32 to index
        %get3A_299 = arith.constant 0 : index
        %get3A_300 = tpu.vector_load %arg9[%get3A, %get3A_299] {strides = array<i32>} : memref<80x16xf32, #tpu.memory_space<vmem>>, vector<1x16xf32>,
        %get3A_301 = vector.shape_cast %get3A_300 : vector<1x16xf32> to vector<16xf32>
        %get3A_302 = arith.index_cast %scan3A_282 : i32 to index
        %get3A_303 = arith.constant 0 : index
        %get3A_304 = tpu.vector_load %arg11[%get3A_302, %get3A_303] {strides = array<i32>} : memref<80x256xf32, #tpu.memory_space<vmem>>, vector<1x16xf32>,
        %get3A_305 = vector.shape_cast %get3A_304 : vector<1x16xf32> to vector<16xf32>
        %get3A_306 = arith.index_cast %scan3A_282 : i32 to index
        %get3A_307 = arith.constant 0 : index
        %get3A_308 = tpu.vector_load %arg13[%get3A_306, %get3A_307] {strides = array<i32>} : memref<80x256xf32, #tpu.memory_space<vmem>>, vector<1x16xf32>,
        %get3A_309 = vector.shape_cast %get3A_308 : vector<1x16xf32> to vector<16xf32>
        %add3A_310 = arith.addf %get3A_305, %get3A_309 : vector<16xf32>
        %mul3A_311 = arith.mulf %add3A_310, %get3A_301 : vector<16xf32>
        %max3A = arith.maximumf %scan3A_283, %mul3A_311 : vector<16xf32>
        %get3A_312 = arith.index_cast %scan3A_282 : i32 to index
        %get3A_313 = arith.constant 16 : index
        %get3A_314 = tpu.vector_load %arg11[%get3A_312, %get3A_313] {strides = array<i32>} : memref<80x256xf32, #tpu.memory_space<vmem>>, vector<1x16xf32>,
        %get3A_315 = vector.shape_cast %get3A_314 : vector<1x16xf32> to vector<16xf32>
        %get3A_316 = arith.index_cast %scan3A_282 : i32 to index
        %get3A_317 = arith.constant 16 : index
        %get3A_318 = tpu.vector_load %arg13[%get3A_316, %get3A_317] {strides = array<i32>} : memref<80x256xf32, #tpu.memory_space<vmem>>, vector<1x16xf32>,
        %get3A_319 = vector.shape_cast %get3A_318 : vector<1x16xf32> to vector<16xf32>
        %add3A_320 = arith.addf %get3A_315, %get3A_319 : vector<16xf32>
        %mul3A_321 = arith.mulf %add3A_320, %get3A_301 : vector<16xf32>
        %max3A_322 = arith.maximumf %scan3A_284, %mul3A_321 : vector<16xf32>
        %get3A_323 = arith.index_cast %scan3A_282 : i32 to index
        %get3A_324 = arith.constant 32 : index
        %get3A_325 = tpu.vector_load %arg11[%get3A_323, %get3A_324] {strides = array<i32>} : memref<80x256xf32, #tpu.memory_space<vmem>>, vector<1x16xf32>,
        %get3A_326 = vector.shape_cast %get3A_325 : vector<1x16xf32> to vector<16xf32>
        %get3A_327 = arith.index_cast %scan3A_282 : i32 to index
        %get3A_328 = arith.constant 32 : index
        %get3A_329 = tpu.vector_load %arg13[%get3A_327, %get3A_328] {strides = array<i32>} : memref<80x256xf32, #tpu.memory_space<vmem>>, vector<1x16xf32>,
        %get3A_330 = vector.shape_cast %get3A_329 : vector<1x16xf32> to vector<16xf32>
        %add3A_331 = arith.addf %get3A_326, %get3A_330 : vector<16xf32>
        %mul3A_332 = arith.mulf %add3A_331, %get3A_301 : vector<16xf32>
        %max3A_333 = arith.maximumf %scan3A_285, %mul3A_332 : vector<16xf32>
        %get3A_334 = arith.index_cast %scan3A_282 : i32 to index
        %get3A_335 = arith.constant 48 : index
        %get3A_336 = tpu.vector_load %arg11[%get3A_334, %get3A_335] {strides = array<i32>} : memref<80x256xf32, #tpu.memory_space<vmem>>, vector<1x16xf32>,
        %get3A_337 = vector.shape_cast %get3A_336 : vector<1x16xf32> to vector<16xf32>
        %get3A_338 = arith.index_cast %scan3A_282 : i32 to index
        %get3A_339 = arith.constant 48 : index
        %get3A_340 = tpu.vector_load %arg13[%get3A_338, %get3A_339] {strides = array<i32>} : memref<80x256xf32, #tpu.memory_space<vmem>>, vector<1x16xf32>,
        %get3A_341 = vector.shape_cast %get3A_340 : vector<1x16xf32> to vector<16xf32>
        %add3A_342 = arith.addf %get3A_337, %get3A_341 : vector<16xf32>
        %mul3A_343 = arith.mulf %add3A_342, %get3A_301 : vector<16xf32>
        %max3A_344 = arith.maximumf %scan3A_286, %mul3A_343 : vector<16xf32>
        %get3A_345 = arith.index_cast %scan3A_282 : i32 to index
        %get3A_346 = arith.constant 64 : index
        %get3A_347 = tpu.vector_load %arg11[%get3A_345, %get3A_346] {strides = array<i32>} : memref<80x256xf32, #tpu.memory_space<vmem>>, vector<1x16xf32>,
        %get3A_348 = vector.shape_cast %get3A_347 : vector<1x16xf32> to vector<16xf32>
        %get3A_349 = arith.index_cast %scan3A_282 : i32 to index
        %get3A_350 = arith.constant 64 : index
        %get3A_351 = tpu.vector_load %arg13[%get3A_349, %get3A_350] {strides = array<i32>} : memref<80x256xf32, #tpu.memory_space<vmem>>, vector<1x16xf32>,
        %get3A_352 = vector.shape_cast %get3A_351 : vector<1x16xf32> to vector<16xf32>
        %add3A_353 = arith.addf %get3A_348, %get3A_352 : vector<16xf32>
        %mul3A_354 = arith.mulf %add3A_353, %get3A_301 : vector<16xf32>
        %max3A_355 = arith.maximumf %scan3A_287, %mul3A_354 : vector<16xf32>
        %get3A_356 = arith.index_cast %scan3A_282 : i32 to index
        %get3A_357 = arith.constant 80 : index
        %get3A_358 = tpu.vector_load %arg11[%get3A_356, %get3A_357] {strides = array<i32>} : memref<80x256xf32, #tpu.memory_space<vmem>>, vector<1x16xf32>,
        %get3A_359 = vector.shape_cast %get3A_358 : vector<1x16xf32> to vector<16xf32>
        %get3A_360 = arith.index_cast %scan3A_282 : i32 to index
        %get3A_361 = arith.constant 80 : index
        %get3A_362 = tpu.vector_load %arg13[%get3A_360, %get3A_361] {strides = array<i32>} : memref<80x256xf32, #tpu.memory_space<vmem>>, vector<1x16xf32>,
        %get3A_363 = vector.shape_cast %get3A_362 : vector<1x16xf32> to vector<16xf32>
        %add3A_364 = arith.addf %get3A_359, %get3A_363 : vector<16xf32>
        %mul3A_365 = arith.mulf %add3A_364, %get3A_301 : vector<16xf32>
        %max3A_366 = arith.maximumf %scan3A_288, %mul3A_365 : vector<16xf32>
        %get3A_367 = arith.index_cast %scan3A_282 : i32 to index
        %get3A_368 = arith.constant 96 : index
        %get3A_369 = tpu.vector_load %arg11[%get3A_367, %get3A_368] {strides = array<i32>} : memref<80x256xf32, #tpu.memory_space<vmem>>, vector<1x16xf32>,
        %get3A_370 = vector.shape_cast %get3A_369 : vector<1x16xf32> to vector<16xf32>
        %get3A_371 = arith.index_cast %scan3A_282 : i32 to index
        %get3A_372 = arith.constant 96 : index
        %get3A_373 = tpu.vector_load %arg13[%get3A_371, %get3A_372] {strides = array<i32>} : memref<80x256xf32, #tpu.memory_space<vmem>>, vector<1x16xf32>,
        %get3A_374 = vector.shape_cast %get3A_373 : vector<1x16xf32> to vector<16xf32>
        %add3A_375 = arith.addf %get3A_370, %get3A_374 : vector<16xf32>
        %mul3A_376 = arith.mulf %add3A_375, %get3A_301 : vector<16xf32>
        %max3A_377 = arith.maximumf %scan3A_289, %mul3A_376 : vector<16xf32>
        %get3A_378 = arith.index_cast %scan3A_282 : i32 to index
        %get3A_379 = arith.constant 112 : index
        %get3A_380 = tpu.vector_load %arg11[%get3A_378, %get3A_379] {strides = array<i32>} : memref<80x256xf32, #tpu.memory_space<vmem>>, vector<1x16xf32>,
        %get3A_381 = vector.shape_cast %get3A_380 : vector<1x16xf32> to vector<16xf32>
        %get3A_382 = arith.index_cast %scan3A_282 : i32 to index
        %get3A_383 = arith.constant 112 : index
        %get3A_384 = tpu.vector_load %arg13[%get3A_382, %get3A_383] {strides = array<i32>} : memref<80x256xf32, #tpu.memory_space<vmem>>, vector<1x16xf32>,
        %get3A_385 = vector.shape_cast %get3A_384 : vector<1x16xf32> to vector<16xf32>
        %add3A_386 = arith.addf %get3A_381, %get3A_385 : vector<16xf32>
        %mul3A_387 = arith.mulf %add3A_386, %get3A_301 : vector<16xf32>
        %max3A_388 = arith.maximumf %scan3A_290, %mul3A_387 : vector<16xf32>
        %get3A_389 = arith.index_cast %scan3A_282 : i32 to index
        %get3A_390 = arith.constant 128 : index
        %get3A_391 = tpu.vector_load %arg11[%get3A_389, %get3A_390] {strides = array<i32>} : memref<80x256xf32, #tpu.memory_space<vmem>>, vector<1x16xf32>,
        %get3A_392 = vector.shape_cast %get3A_391 : vector<1x16xf32> to vector<16xf32>
        %get3A_393 = arith.index_cast %scan3A_282 : i32 to index
        %get3A_394 = arith.constant 128 : index
        %get3A_395 = tpu.vector_load %arg13[%get3A_393, %get3A_394] {strides = array<i32>} : memref<80x256xf32, #tpu.memory_space<vmem>>, vector<1x16xf32>,
        %get3A_396 = vector.shape_cast %get3A_395 : vector<1x16xf32> to vector<16xf32>
        %add3A_397 = arith.addf %get3A_392, %get3A_396 : vector<16xf32>
        %mul3A_398 = arith.mulf %add3A_397, %get3A_301 : vector<16xf32>
        %max3A_399 = arith.maximumf %scan3A_291, %mul3A_398 : vector<16xf32>
        %get3A_400 = arith.index_cast %scan3A_282 : i32 to index
        %get3A_401 = arith.constant 144 : index
        %get3A_402 = tpu.vector_load %arg11[%get3A_400, %get3A_401] {strides = array<i32>} : memref<80x256xf32, #tpu.memory_space<vmem>>, vector<1x16xf32>,
        %get3A_403 = vector.shape_cast %get3A_402 : vector<1x16xf32> to vector<16xf32>
        %get3A_404 = arith.index_cast %scan3A_282 : i32 to index
        %get3A_405 = arith.constant 144 : index
        %get3A_406 = tpu.vector_load %arg13[%get3A_404, %get3A_405] {strides = array<i32>} : memref<80x256xf32, #tpu.memory_space<vmem>>, vector<1x16xf32>,
        %get3A_407 = vector.shape_cast %get3A_406 : vector<1x16xf32> to vector<16xf32>
        %add3A_408 = arith.addf %get3A_403, %get3A_407 : vector<16xf32>
        %mul3A_409 = arith.mulf %add3A_408, %get3A_301 : vector<16xf32>
        %max3A_410 = arith.maximumf %scan3A_292, %mul3A_409 : vector<16xf32>
        %get3A_411 = arith.index_cast %scan3A_282 : i32 to index
        %get3A_412 = arith.constant 160 : index
        %get3A_413 = tpu.vector_load %arg11[%get3A_411, %get3A_412] {strides = array<i32>} : memref<80x256xf32, #tpu.memory_space<vmem>>, vector<1x16xf32>,
        %get3A_414 = vector.shape_cast %get3A_413 : vector<1x16xf32> to vector<16xf32>
        %get3A_415 = arith.index_cast %scan3A_282 : i32 to index
        %get3A_416 = arith.constant 160 : index
        %get3A_417 = tpu.vector_load %arg13[%get3A_415, %get3A_416] {strides = array<i32>} : memref<80x256xf32, #tpu.memory_space<vmem>>, vector<1x16xf32>,
        %get3A_418 = vector.shape_cast %get3A_417 : vector<1x16xf32> to vector<16xf32>
        %add3A_419 = arith.addf %get3A_414, %get3A_418 : vector<16xf32>
        %mul3A_420 = arith.mulf %add3A_419, %get3A_301 : vector<16xf32>
        %max3A_421 = arith.maximumf %scan3A_293, %mul3A_420 : vector<16xf32>
        %get3A_422 = arith.index_cast %scan3A_282 : i32 to index
        %get3A_423 = arith.constant 176 : index
        %get3A_424 = tpu.vector_load %arg11[%get3A_422, %get3A_423] {strides = array<i32>} : memref<80x256xf32, #tpu.memory_space<vmem>>, vector<1x16xf32>,
        %get3A_425 = vector.shape_cast %get3A_424 : vector<1x16xf32> to vector<16xf32>
        %get3A_426 = arith.index_cast %scan3A_282 : i32 to index
        %get3A_427 = arith.constant 176 : index
        %get3A_428 = tpu.vector_load %arg13[%get3A_426, %get3A_427] {strides = array<i32>} : memref<80x256xf32, #tpu.memory_space<vmem>>, vector<1x16xf32>,
        %get3A_429 = vector.shape_cast %get3A_428 : vector<1x16xf32> to vector<16xf32>
        %add3A_430 = arith.addf %get3A_425, %get3A_429 : vector<16xf32>
        %mul3A_431 = arith.mulf %add3A_430, %get3A_301 : vector<16xf32>
        %max3A_432 = arith.maximumf %scan3A_294, %mul3A_431 : vector<16xf32>
        %get3A_433 = arith.index_cast %scan3A_282 : i32 to index
        %get3A_434 = arith.constant 192 : index
        %get3A_435 = tpu.vector_load %arg11[%get3A_433, %get3A_434] {strides = array<i32>} : memref<80x256xf32, #tpu.memory_space<vmem>>, vector<1x16xf32>,
        %get3A_436 = vector.shape_cast %get3A_435 : vector<1x16xf32> to vector<16xf32>
        %get3A_437 = arith.index_cast %scan3A_282 : i32 to index
        %get3A_438 = arith.constant 192 : index
        %get3A_439 = tpu.vector_load %arg13[%get3A_437, %get3A_438] {strides = array<i32>} : memref<80x256xf32, #tpu.memory_space<vmem>>, vector<1x16xf32>,
        %get3A_440 = vector.shape_cast %get3A_439 : vector<1x16xf32> to vector<16xf32>
        %add3A_441 = arith.addf %get3A_436, %get3A_440 : vector<16xf32>
        %mul3A_442 = arith.mulf %add3A_441, %get3A_301 : vector<16xf32>
        %max3A_443 = arith.maximumf %scan3A_295, %mul3A_442 : vector<16xf32>
        %get3A_444 = arith.index_cast %scan3A_282 : i32 to index
        %get3A_445 = arith.constant 208 : index
        %get3A_446 = tpu.vector_load %arg11[%get3A_444, %get3A_445] {strides = array<i32>} : memref<80x256xf32, #tpu.memory_space<vmem>>, vector<1x16xf32>,
        %get3A_447 = vector.shape_cast %get3A_446 : vector<1x16xf32> to vector<16xf32>
        %get3A_448 = arith.index_cast %scan3A_282 : i32 to index
        %get3A_449 = arith.constant 208 : index
        %get3A_450 = tpu.vector_load %arg13[%get3A_448, %get3A_449] {strides = array<i32>} : memref<80x256xf32, #tpu.memory_space<vmem>>, vector<1x16xf32>,
        %get3A_451 = vector.shape_cast %get3A_450 : vector<1x16xf32> to vector<16xf32>
        %add3A_452 = arith.addf %get3A_447, %get3A_451 : vector<16xf32>
        %mul3A_453 = arith.mulf %add3A_452, %get3A_301 : vector<16xf32>
        %max3A_454 = arith.maximumf %scan3A_296, %mul3A_453 : vector<16xf32>
        %get3A_455 = arith.index_cast %scan3A_282 : i32 to index
        %get3A_456 = arith.constant 224 : index
        %get3A_457 = tpu.vector_load %arg11[%get3A_455, %get3A_456] {strides = array<i32>} : memref<80x256xf32, #tpu.memory_space<vmem>>, vector<1x16xf32>,
        %get3A_458 = vector.shape_cast %get3A_457 : vector<1x16xf32> to vector<16xf32>
        %get3A_459 = arith.index_cast %scan3A_282 : i32 to index
        %get3A_460 = arith.constant 224 : index
        %get3A_461 = tpu.vector_load %arg13[%get3A_459, %get3A_460] {strides = array<i32>} : memref<80x256xf32, #tpu.memory_space<vmem>>, vector<1x16xf32>,
        %get3A_462 = vector.shape_cast %get3A_461 : vector<1x16xf32> to vector<16xf32>
        %add3A_463 = arith.addf %get3A_458, %get3A_462 : vector<16xf32>
        %mul3A_464 = arith.mulf %add3A_463, %get3A_301 : vector<16xf32>
        %max3A_465 = arith.maximumf %scan3A_297, %mul3A_464 : vector<16xf32>
        %get3A_466 = arith.index_cast %scan3A_282 : i32 to index
        %get3A_467 = arith.constant 240 : index
        %get3A_468 = tpu.vector_load %arg11[%get3A_466, %get3A_467] {strides = array<i32>} : memref<80x256xf32, #tpu.memory_space<vmem>>, vector<1x16xf32>,
        %get3A_469 = vector.shape_cast %get3A_468 : vector<1x16xf32> to vector<16xf32>
        %get3A_470 = arith.index_cast %scan3A_282 : i32 to index
        %get3A_471 = arith.constant 240 : index
        %get3A_472 = tpu.vector_load %arg13[%get3A_470, %get3A_471] {strides = array<i32>} : memref<80x256xf32, #tpu.memory_space<vmem>>, vector<1x16xf32>,
        %get3A_473 = vector.shape_cast %get3A_472 : vector<1x16xf32> to vector<16xf32>
        %add3A_474 = arith.addf %get3A_469, %get3A_473 : vector<16xf32>
        %mul3A_475 = arith.mulf %add3A_474, %get3A_301 : vector<16xf32>
        %max3A_476 = arith.maximumf %scan3A_298, %mul3A_475 : vector<16xf32>
        scf.yield %max3A, %max3A_322, %max3A_333, %max3A_344, %max3A_355, %max3A_366, %max3A_377, %max3A_388, %max3A_399, %max3A_410, %max3A_421, %max3A_432, %max3A_443, %max3A_454, %max3A_465, %max3A_476 : vector<16xf32>, vector<16xf32>, vector<16xf32>, vector<16xf32>, vector<16xf32>, vector<16xf32>, vector<16xf32>, vector<16xf32>, vector<16xf32>, vector<16xf32>, vector<16xf32>, vector<16xf32>, vector<16xf32>, vector<16xf32>, vector<16xf32>, vector<16xf32>
      }
      %scan3A_202 = arith.constant 80 : i32
      %select_n3A = arith.select %lt3A_193, %scan3A_201#0, %scan3A_159 : vector<16xf32>
      %select_n3A_203 = arith.select %lt3A_193, %scan3A_201#1, %scan3A_160 : vector<16xf32>
      %select_n3A_204 = arith.select %lt3A_193, %scan3A_201#2, %scan3A_161 : vector<16xf32>
      %select_n3A_205 = arith.select %lt3A_193, %scan3A_201#3, %scan3A_162 : vector<16xf32>
      %select_n3A_206 = arith.select %lt3A_193, %scan3A_201#4, %scan3A_163 : vector<16xf32>
      %select_n3A_207 = arith.select %lt3A_193, %scan3A_201#5, %scan3A_164 : vector<16xf32>
      %select_n3A_208 = arith.select %lt3A_193, %scan3A_201#6, %scan3A_165 : vector<16xf32>
      %select_n3A_209 = arith.select %lt3A_193, %scan3A_201#7, %scan3A_166 : vector<16xf32>
      %select_n3A_210 = arith.select %lt3A_193, %scan3A_201#8, %scan3A_167 : vector<16xf32>
      %select_n3A_211 = arith.select %lt3A_193, %scan3A_201#9, %scan3A_168 : vector<16xf32>
      %select_n3A_212 = arith.select %lt3A_193, %scan3A_201#10, %scan3A_169 : vector<16xf32>
      %select_n3A_213 = arith.select %lt3A_193, %scan3A_201#11, %scan3A_170 : vector<16xf32>
      %select_n3A_214 = arith.select %lt3A_193, %scan3A_201#12, %scan3A_171 : vector<16xf32>
      %select_n3A_215 = arith.select %lt3A_193, %scan3A_201#13, %scan3A_172 : vector<16xf32>
      %select_n3A_216 = arith.select %lt3A_193, %scan3A_201#14, %scan3A_173 : vector<16xf32>
      %select_n3A_217 = arith.select %lt3A_193, %scan3A_201#15, %scan3A_174 : vector<16xf32>
      %add3A_218 = arith.constant 2 : i32
      %add3A_219 = arith.addi %add3A_178, %add3A_218 : i32
      %mul3A_220 = arith.constant 32 : i32
      %mul3A_221 = arith.muli %add3A_219, %mul3A_220 : i32
      %add3A_222 = arith.addi %add3A, %mul3A_221 : i32
      %lt3A_223 = arith.constant 2000 : i32
      %lt3A_224 = arith.cmpi slt, %add3A_222, %lt3A_223 : i32
      %convert_element_type3A_225 = arith.extui %lt3A_224 : i1 to i32
      %cond3A_226 = arith.constant 0 : i32
      %cond3A_227 = arith.cmpi ne, %convert_element_type3A_225, %cond3A_226 : i32
      scf.if %cond3A_227 {
        %dma_start3A = arith.constant 0 : i32
        %dma_start3A_282 = arith.constant 0 : i32
        %dma_start3A_283 = tpu.memref_slice %arg3[%add3A_222, %dma_start3A, %dma_start3A_282] : memref<2000x2x80xi32, #tpu.memory_space<hbm>> -> memref<1x2x80xi32, #tpu.memory_space<hbm>>
        %dma_start3A_284 = tpu.memref_squeeze %dma_start3A_283 : memref<1x2x80xi32, #tpu.memory_space<hbm>> -> memref<2x80xi32, #tpu.memory_space<hbm>>
        %dma_start3A_285 = arith.constant 0 : i32
        %dma_start3A_286 = arith.constant 0 : i32
        %dma_start3A_287 = tpu.memref_slice %arg3[%add3A_222, %dma_start3A_285, %dma_start3A_286] : memref<2000x2x80xi32, #tpu.memory_space<hbm>> -> memref<1x2x80xi32, #tpu.memory_space<hbm>>
        %dma_start3A_288 = tpu.memref_squeeze %dma_start3A_287 : memref<1x2x80xi32, #tpu.memory_space<hbm>> -> memref<2x80xi32, #tpu.memory_space<hbm>>
        tpu.enqueue_dma source(%dma_start3A_288 : memref<2x80xi32, #tpu.memory_space<hbm>>) target(%arg7 : memref<2x80xi32, #tpu.memory_space<vmem>>) target_semaphore(%arg19 : memref<!tpu.dma_semaphore, #tpu.memory_space<semaphore_mem>>)
        %dma_start3A_289 = arith.constant 0 : i32
        %dma_start3A_290 = arith.constant 0 : i32
        %dma_start3A_291 = tpu.memref_slice %arg4[%add3A_222, %dma_start3A_289, %dma_start3A_290] : memref<2000x80x16xf32, #tpu.memory_space<hbm>> -> memref<1x80x16xf32, #tpu.memory_space<hbm>>
        %dma_start3A_292 = tpu.memref_squeeze %dma_start3A_291 : memref<1x80x16xf32, #tpu.memory_space<hbm>> -> memref<80x16xf32, #tpu.memory_space<hbm>>
        %dma_start3A_293 = arith.constant 0 : i32
        %dma_start3A_294 = arith.constant 0 : i32
        %dma_start3A_295 = tpu.memref_slice %arg4[%add3A_222, %dma_start3A_293, %dma_start3A_294] : memref<2000x80x16xf32, #tpu.memory_space<hbm>> -> memref<1x80x16xf32, #tpu.memory_space<hbm>>
        %dma_start3A_296 = tpu.memref_squeeze %dma_start3A_295 : memref<1x80x16xf32, #tpu.memory_space<hbm>> -> memref<80x16xf32, #tpu.memory_space<hbm>>
        tpu.enqueue_dma source(%dma_start3A_296 : memref<80x16xf32, #tpu.memory_space<hbm>>) target(%arg9 : memref<80x16xf32, #tpu.memory_space<vmem>>) target_semaphore(%arg21 : memref<!tpu.dma_semaphore, #tpu.memory_space<semaphore_mem>>)
      } else {
      }
      %mul3A_228 = arith.constant 2 : i32
      %mul3A_229 = arith.muli %mul3A_228, %scan3A_158 : i32
      %add3A_230 = arith.constant 1 : i32
      %add3A_231 = arith.addi %mul3A_229, %add3A_230 : i32
      %add3A_232 = arith.constant 1 : i32
      %add3A_233 = arith.addi %add3A_231, %add3A_232 : i32
      %mul3A_234 = arith.constant 32 : i32
      %mul3A_235 = arith.muli %add3A_233, %mul3A_234 : i32
      %add3A_236 = arith.addi %add3A, %mul3A_235 : i32
      %lt3A_237 = arith.constant 2000 : i32
      %lt3A_238 = arith.cmpi slt, %add3A_236, %lt3A_237 : i32
      %convert_element_type3A_239 = arith.extui %lt3A_238 : i1 to i32
      %cond3A_240 = arith.constant 0 : i32
      %cond3A_241 = arith.cmpi ne, %convert_element_type3A_239, %cond3A_240 : i32
      scf.if %cond3A_241 {
        %dma_wait3A = arith.constant 0 : i32
        %dma_wait3A_282 = arith.constant 0 : i32
        %dma_wait3A_283 = tpu.memref_slice %arg3[%add3A_236, %dma_wait3A, %dma_wait3A_282] : memref<2000x2x80xi32, #tpu.memory_space<hbm>> -> memref<1x2x80xi32, #tpu.memory_space<hbm>>
        %dma_wait3A_284 = tpu.memref_squeeze %dma_wait3A_283 : memref<1x2x80xi32, #tpu.memory_space<hbm>> -> memref<2x80xi32, #tpu.memory_space<hbm>>
        %dma_wait3A_285 = arith.constant 0 : i32
        %dma_wait3A_286 = arith.constant 0 : i32
        %dma_wait3A_287 = tpu.memref_slice %arg3[%add3A_236, %dma_wait3A_285, %dma_wait3A_286] : memref<2000x2x80xi32, #tpu.memory_space<hbm>> -> memref<1x2x80xi32, #tpu.memory_space<hbm>>
        %dma_wait3A_288 = tpu.memref_squeeze %dma_wait3A_287 : memref<1x2x80xi32, #tpu.memory_space<hbm>> -> memref<2x80xi32, #tpu.memory_space<hbm>>
        tpu.wait_dma2 semaphore(%arg19 : memref<!tpu.dma_semaphore, #tpu.memory_space<semaphore_mem>>) src(%dma_wait3A_288 : memref<2x80xi32, #tpu.memory_space<hbm>>) dst(%arg7 : memref<2x80xi32, #tpu.memory_space<vmem>>)
        %dma_wait3A_289 = arith.constant 0 : i32
        %dma_wait3A_290 = arith.constant 0 : i32
        %dma_wait3A_291 = tpu.memref_slice %arg4[%add3A_236, %dma_wait3A_289, %dma_wait3A_290] : memref<2000x80x16xf32, #tpu.memory_space<hbm>> -> memref<1x80x16xf32, #tpu.memory_space<hbm>>
        %dma_wait3A_292 = tpu.memref_squeeze %dma_wait3A_291 : memref<1x80x16xf32, #tpu.memory_space<hbm>> -> memref<80x16xf32, #tpu.memory_space<hbm>>
        %dma_wait3A_293 = arith.constant 0 : i32
        %dma_wait3A_294 = arith.constant 0 : i32
        %dma_wait3A_295 = tpu.memref_slice %arg4[%add3A_236, %dma_wait3A_293, %dma_wait3A_294] : memref<2000x80x16xf32, #tpu.memory_space<hbm>> -> memref<1x80x16xf32, #tpu.memory_space<hbm>>
        %dma_wait3A_296 = tpu.memref_squeeze %dma_wait3A_295 : memref<1x80x16xf32, #tpu.memory_space<hbm>> -> memref<80x16xf32, #tpu.memory_space<hbm>>
        tpu.wait_dma2 semaphore(%arg21 : memref<!tpu.dma_semaphore, #tpu.memory_space<semaphore_mem>>) src(%dma_wait3A_296 : memref<80x16xf32, #tpu.memory_space<hbm>>) dst(%arg9 : memref<80x16xf32, #tpu.memory_space<vmem>>)
        %dma_start3A = arith.constant 0 : i32
        %dma_start3A_297 = arith.constant 0 : i32
        %dma_start3A_298 = tpu.memref_slice %arg7[%dma_start3A, %dma_start3A_297] : memref<2x80xi32, #tpu.memory_space<vmem>> -> memref<1x80xi32, #tpu.memory_space<vmem>>
        %dma_start3A_299 = tpu.memref_squeeze %dma_start3A_298 : memref<1x80xi32, #tpu.memory_space<vmem>> -> memref<80xi32, #tpu.memory_space<vmem>>
        %dma_start3A_300 = arith.constant 0 : i32
        %dma_start3A_301 = arith.constant 0 : i32
        %dma_start3A_302 = tpu.memref_slice %arg2[%dma_start3A_300, %dma_start3A_301] : memref<10000x256xf32, #tpu.memory_space<hbm>> -> memref<10000x256xf32, #tpu.memory_space<hbm>>
        tpu.enqueue_indirect_dma source(%dma_start3A_302 : memref<10000x256xf32, #tpu.memory_space<hbm>>) target(%arg11 : memref<80x256xf32, #tpu.memory_space<vmem>>) offsets(%dma_start3A_299 : memref<80xi32, #tpu.memory_space<vmem>>) semaphore(%arg23 : memref<!tpu.dma_semaphore, #tpu.memory_space<semaphore_mem>>)
        %dma_start3A_303 = arith.constant 1 : i32
        %dma_start3A_304 = arith.constant 0 : i32
        %dma_start3A_305 = tpu.memref_slice %arg7[%dma_start3A_303, %dma_start3A_304] : memref<2x80xi32, #tpu.memory_space<vmem>> -> memref<1x80xi32, #tpu.memory_space<vmem>>
        %dma_start3A_306 = tpu.memref_squeeze %dma_start3A_305 : memref<1x80xi32, #tpu.memory_space<vmem>> -> memref<80xi32, #tpu.memory_space<vmem>>
        %dma_start3A_307 = arith.constant 0 : i32
        %dma_start3A_308 = arith.constant 0 : i32
        %dma_start3A_309 = tpu.memref_slice %arg2[%dma_start3A_307, %dma_start3A_308] : memref<10000x256xf32, #tpu.memory_space<hbm>> -> memref<10000x256xf32, #tpu.memory_space<hbm>>
        tpu.enqueue_indirect_dma source(%dma_start3A_309 : memref<10000x256xf32, #tpu.memory_space<hbm>>) target(%arg13 : memref<80x256xf32, #tpu.memory_space<vmem>>) offsets(%dma_start3A_306 : memref<80xi32, #tpu.memory_space<vmem>>) semaphore(%arg25 : memref<!tpu.dma_semaphore, #tpu.memory_space<semaphore_mem>>)
        %run_scoped3A = arith.constant 1 : i32
        "tpu.region"() ({
          %run_scoped3A_310 = tpu.sem_alloc : memref<!tpu.dma_semaphore, #tpu.memory_space<semaphore_mem>>
          %dma_start3A_311 = arith.constant 0 : i32
          %dma_start3A_312 = tpu.memref_slice %arg7[%run_scoped3A, %dma_start3A_311] : memref<2x80xi32, #tpu.memory_space<vmem>> -> memref<1x80xi32, #tpu.memory_space<vmem>>
          %dma_start3A_313 = tpu.memref_squeeze %dma_start3A_312 : memref<1x80xi32, #tpu.memory_space<vmem>> -> memref<80xi32, #tpu.memory_space<vmem>>
          %dma_start3A_314 = arith.constant 0 : i32
          %dma_start3A_315 = tpu.memref_slice %arg18[%dma_start3A_314] : memref<10000xi32, #tpu.memory_space<vmem_shared>> -> memref<10000xi32, #tpu.memory_space<vmem_shared>>
          tpu.enqueue_indirect_dma source(%arg16 : memref<80xi32, #tpu.memory_space<vmem>>) target(%dma_start3A_315 : memref<10000xi32, #tpu.memory_space<vmem_shared>>) offsets(%dma_start3A_313 : memref<80xi32, #tpu.memory_space<vmem>>) semaphore(%run_scoped3A_310 : memref<!tpu.dma_semaphore, #tpu.memory_space<semaphore_mem>>) {add = true}
          %dma_wait3A_316 = arith.constant 0 : i32
          %dma_wait3A_317 = tpu.memref_slice %arg7[%run_scoped3A, %dma_wait3A_316] : memref<2x80xi32, #tpu.memory_space<vmem>> -> memref<1x80xi32, #tpu.memory_space<vmem>>
          %dma_wait3A_318 = tpu.memref_squeeze %dma_wait3A_317 : memref<1x80xi32, #tpu.memory_space<vmem>> -> memref<80xi32, #tpu.memory_space<vmem>>
          %dma_wait3A_319 = arith.constant 0 : i32
          %dma_wait3A_320 = tpu.memref_slice %arg18[%dma_wait3A_319] : memref<10000xi32, #tpu.memory_space<vmem_shared>> -> memref<10000xi32, #tpu.memory_space<vmem_shared>>
          tpu.wait_indirect_dma semaphore(%run_scoped3A_310 : memref<!tpu.dma_semaphore, #tpu.memory_space<semaphore_mem>>) src(%arg16 : memref<80xi32, #tpu.memory_space<vmem>>) dst(%dma_wait3A_320 : memref<10000xi32, #tpu.memory_space<vmem_shared>>)
          tpu.yield
        }) : () -> ()
      } else {
      }
      %mul3A_242 = arith.constant 32 : i32
      %mul3A_243 = arith.muli %add3A_231, %mul3A_242 : i32
      %add3A_244 = arith.addi %add3A, %mul3A_243 : i32
      %lt3A_245 = arith.constant 2000 : i32
      %lt3A_246 = arith.cmpi slt, %add3A_244, %lt3A_245 : i32
      %convert_element_type3A_247 = arith.extui %lt3A_246 : i1 to i32
      %cond3A_248 = arith.constant 0 : i32
      %cond3A_249 = arith.cmpi ne, %convert_element_type3A_247, %cond3A_248 : i32
      scf.if %cond3A_249 {
        %dma_wait3A = arith.constant 0 : i32
        %dma_wait3A_282 = arith.constant 0 : i32
        %dma_wait3A_283 = tpu.memref_slice %arg8[%dma_wait3A, %dma_wait3A_282] : memref<2x80xi32, #tpu.memory_space<vmem>> -> memref<1x80xi32, #tpu.memory_space<vmem>>
        %dma_wait3A_284 = tpu.memref_squeeze %dma_wait3A_283 : memref<1x80xi32, #tpu.memory_space<vmem>> -> memref<80xi32, #tpu.memory_space<vmem>>
        %dma_wait3A_285 = arith.constant 0 : i32
        %dma_wait3A_286 = arith.constant 0 : i32
        %dma_wait3A_287 = tpu.memref_slice %arg2[%dma_wait3A_285, %dma_wait3A_286] : memref<10000x256xf32, #tpu.memory_space<hbm>> -> memref<10000x256xf32, #tpu.memory_space<hbm>>
        tpu.wait_indirect_dma semaphore(%arg24 : memref<!tpu.dma_semaphore, #tpu.memory_space<semaphore_mem>>) src(%dma_wait3A_287 : memref<10000x256xf32, #tpu.memory_space<hbm>>) dst(%arg12 : memref<80x256xf32, #tpu.memory_space<vmem>>)
        %dma_wait3A_288 = arith.constant 1 : i32
        %dma_wait3A_289 = arith.constant 0 : i32
        %dma_wait3A_290 = tpu.memref_slice %arg8[%dma_wait3A_288, %dma_wait3A_289] : memref<2x80xi32, #tpu.memory_space<vmem>> -> memref<1x80xi32, #tpu.memory_space<vmem>>
        %dma_wait3A_291 = tpu.memref_squeeze %dma_wait3A_290 : memref<1x80xi32, #tpu.memory_space<vmem>> -> memref<80xi32, #tpu.memory_space<vmem>>
        %dma_wait3A_292 = arith.constant 0 : i32
        %dma_wait3A_293 = arith.constant 0 : i32
        %dma_wait3A_294 = tpu.memref_slice %arg2[%dma_wait3A_292, %dma_wait3A_293] : memref<10000x256xf32, #tpu.memory_space<hbm>> -> memref<10000x256xf32, #tpu.memory_space<hbm>>
        tpu.wait_indirect_dma semaphore(%arg26 : memref<!tpu.dma_semaphore, #tpu.memory_space<semaphore_mem>>) src(%dma_wait3A_294 : memref<10000x256xf32, #tpu.memory_space<hbm>>) dst(%arg14 : memref<80x256xf32, #tpu.memory_space<vmem>>)
      } else {
      }
      %scan3A_250 = arith.constant 0 : i32
      %scan3A_251 = arith.constant 80 : i32
      %scan3A_252 = arith.addi %scan3A_250, %scan3A_251 : i32
      %scan3A_253 = arith.constant 1 : i32
      %scan3A_254:16 = scf.for %scan3A_282 = %scan3A_250 to %scan3A_252 step %scan3A_253 iter_args(%scan3A_283 = %select_n3A, %scan3A_284 = %select_n3A_203, %scan3A_285 = %select_n3A_204, %scan3A_286 = %select_n3A_205, %scan3A_287 = %select_n3A_206, %scan3A_288 = %select_n3A_207, %scan3A_289 = %select_n3A_208, %scan3A_290 = %select_n3A_209, %scan3A_291 = %select_n3A_210, %scan3A_292 = %select_n3A_211, %scan3A_293 = %select_n3A_212, %scan3A_294 = %select_n3A_213, %scan3A_295 = %select_n3A_214, %scan3A_296 = %select_n3A_215, %scan3A_297 = %select_n3A_216, %scan3A_298 = %select_n3A_217) -> (vector<16xf32>, vector<16xf32>, vector<16xf32>, vector<16xf32>, vector<16xf32>, vector<16xf32>, vector<16xf32>, vector<16xf32>, vector<16xf32>, vector<16xf32>, vector<16xf32>, vector<16xf32>, vector<16xf32>, vector<16xf32>, vector<16xf32>, vector<16xf32>)  : i32 {
        %get3A = arith.index_cast %scan3A_282 : i32 to index
        %get3A_299 = arith.constant 0 : index
        %get3A_300 = tpu.vector_load %arg10[%get3A, %get3A_299] {strides = array<i32>} : memref<80x16xf32, #tpu.memory_space<vmem>>, vector<1x16xf32>,
        %get3A_301 = vector.shape_cast %get3A_300 : vector<1x16xf32> to vector<16xf32>
        %get3A_302 = arith.index_cast %scan3A_282 : i32 to index
        %get3A_303 = arith.constant 0 : index
        %get3A_304 = tpu.vector_load %arg12[%get3A_302, %get3A_303] {strides = array<i32>} : memref<80x256xf32, #tpu.memory_space<vmem>>, vector<1x16xf32>,
        %get3A_305 = vector.shape_cast %get3A_304 : vector<1x16xf32> to vector<16xf32>
        %get3A_306 = arith.index_cast %scan3A_282 : i32 to index
        %get3A_307 = arith.constant 0 : index
        %get3A_308 = tpu.vector_load %arg14[%get3A_306, %get3A_307] {strides = array<i32>} : memref<80x256xf32, #tpu.memory_space<vmem>>, vector<1x16xf32>,
        %get3A_309 = vector.shape_cast %get3A_308 : vector<1x16xf32> to vector<16xf32>
        %add3A_310 = arith.addf %get3A_305, %get3A_309 : vector<16xf32>
        %mul3A_311 = arith.mulf %add3A_310, %get3A_301 : vector<16xf32>
        %max3A = arith.maximumf %scan3A_283, %mul3A_311 : vector<16xf32>
        %get3A_312 = arith.index_cast %scan3A_282 : i32 to index
        %get3A_313 = arith.constant 16 : index
        %get3A_314 = tpu.vector_load %arg12[%get3A_312, %get3A_313] {strides = array<i32>} : memref<80x256xf32, #tpu.memory_space<vmem>>, vector<1x16xf32>,
        %get3A_315 = vector.shape_cast %get3A_314 : vector<1x16xf32> to vector<16xf32>
        %get3A_316 = arith.index_cast %scan3A_282 : i32 to index
        %get3A_317 = arith.constant 16 : index
        %get3A_318 = tpu.vector_load %arg14[%get3A_316, %get3A_317] {strides = array<i32>} : memref<80x256xf32, #tpu.memory_space<vmem>>, vector<1x16xf32>,
        %get3A_319 = vector.shape_cast %get3A_318 : vector<1x16xf32> to vector<16xf32>
        %add3A_320 = arith.addf %get3A_315, %get3A_319 : vector<16xf32>
        %mul3A_321 = arith.mulf %add3A_320, %get3A_301 : vector<16xf32>
        %max3A_322 = arith.maximumf %scan3A_284, %mul3A_321 : vector<16xf32>
        %get3A_323 = arith.index_cast %scan3A_282 : i32 to index
        %get3A_324 = arith.constant 32 : index
        %get3A_325 = tpu.vector_load %arg12[%get3A_323, %get3A_324] {strides = array<i32>} : memref<80x256xf32, #tpu.memory_space<vmem>>, vector<1x16xf32>,
        %get3A_326 = vector.shape_cast %get3A_325 : vector<1x16xf32> to vector<16xf32>
        %get3A_327 = arith.index_cast %scan3A_282 : i32 to index
        %get3A_328 = arith.constant 32 : index
        %get3A_329 = tpu.vector_load %arg14[%get3A_327, %get3A_328] {strides = array<i32>} : memref<80x256xf32, #tpu.memory_space<vmem>>, vector<1x16xf32>,
        %get3A_330 = vector.shape_cast %get3A_329 : vector<1x16xf32> to vector<16xf32>
        %add3A_331 = arith.addf %get3A_326, %get3A_330 : vector<16xf32>
        %mul3A_332 = arith.mulf %add3A_331, %get3A_301 : vector<16xf32>
        %max3A_333 = arith.maximumf %scan3A_285, %mul3A_332 : vector<16xf32>
        %get3A_334 = arith.index_cast %scan3A_282 : i32 to index
        %get3A_335 = arith.constant 48 : index
        %get3A_336 = tpu.vector_load %arg12[%get3A_334, %get3A_335] {strides = array<i32>} : memref<80x256xf32, #tpu.memory_space<vmem>>, vector<1x16xf32>,
        %get3A_337 = vector.shape_cast %get3A_336 : vector<1x16xf32> to vector<16xf32>
        %get3A_338 = arith.index_cast %scan3A_282 : i32 to index
        %get3A_339 = arith.constant 48 : index
        %get3A_340 = tpu.vector_load %arg14[%get3A_338, %get3A_339] {strides = array<i32>} : memref<80x256xf32, #tpu.memory_space<vmem>>, vector<1x16xf32>,
        %get3A_341 = vector.shape_cast %get3A_340 : vector<1x16xf32> to vector<16xf32>
        %add3A_342 = arith.addf %get3A_337, %get3A_341 : vector<16xf32>
        %mul3A_343 = arith.mulf %add3A_342, %get3A_301 : vector<16xf32>
        %max3A_344 = arith.maximumf %scan3A_286, %mul3A_343 : vector<16xf32>
        %get3A_345 = arith.index_cast %scan3A_282 : i32 to index
        %get3A_346 = arith.constant 64 : index
        %get3A_347 = tpu.vector_load %arg12[%get3A_345, %get3A_346] {strides = array<i32>} : memref<80x256xf32, #tpu.memory_space<vmem>>, vector<1x16xf32>,
        %get3A_348 = vector.shape_cast %get3A_347 : vector<1x16xf32> to vector<16xf32>
        %get3A_349 = arith.index_cast %scan3A_282 : i32 to index
        %get3A_350 = arith.constant 64 : index
        %get3A_351 = tpu.vector_load %arg14[%get3A_349, %get3A_350] {strides = array<i32>} : memref<80x256xf32, #tpu.memory_space<vmem>>, vector<1x16xf32>,
        %get3A_352 = vector.shape_cast %get3A_351 : vector<1x16xf32> to vector<16xf32>
        %add3A_353 = arith.addf %get3A_348, %get3A_352 : vector<16xf32>
        %mul3A_354 = arith.mulf %add3A_353, %get3A_301 : vector<16xf32>
        %max3A_355 = arith.maximumf %scan3A_287, %mul3A_354 : vector<16xf32>
        %get3A_356 = arith.index_cast %scan3A_282 : i32 to index
        %get3A_357 = arith.constant 80 : index
        %get3A_358 = tpu.vector_load %arg12[%get3A_356, %get3A_357] {strides = array<i32>} : memref<80x256xf32, #tpu.memory_space<vmem>>, vector<1x16xf32>,
        %get3A_359 = vector.shape_cast %get3A_358 : vector<1x16xf32> to vector<16xf32>
        %get3A_360 = arith.index_cast %scan3A_282 : i32 to index
        %get3A_361 = arith.constant 80 : index
        %get3A_362 = tpu.vector_load %arg14[%get3A_360, %get3A_361] {strides = array<i32>} : memref<80x256xf32, #tpu.memory_space<vmem>>, vector<1x16xf32>,
        %get3A_363 = vector.shape_cast %get3A_362 : vector<1x16xf32> to vector<16xf32>
        %add3A_364 = arith.addf %get3A_359, %get3A_363 : vector<16xf32>
        %mul3A_365 = arith.mulf %add3A_364, %get3A_301 : vector<16xf32>
        %max3A_366 = arith.maximumf %scan3A_288, %mul3A_365 : vector<16xf32>
        %get3A_367 = arith.index_cast %scan3A_282 : i32 to index
        %get3A_368 = arith.constant 96 : index
        %get3A_369 = tpu.vector_load %arg12[%get3A_367, %get3A_368] {strides = array<i32>} : memref<80x256xf32, #tpu.memory_space<vmem>>, vector<1x16xf32>,
        %get3A_370 = vector.shape_cast %get3A_369 : vector<1x16xf32> to vector<16xf32>
        %get3A_371 = arith.index_cast %scan3A_282 : i32 to index
        %get3A_372 = arith.constant 96 : index
        %get3A_373 = tpu.vector_load %arg14[%get3A_371, %get3A_372] {strides = array<i32>} : memref<80x256xf32, #tpu.memory_space<vmem>>, vector<1x16xf32>,
        %get3A_374 = vector.shape_cast %get3A_373 : vector<1x16xf32> to vector<16xf32>
        %add3A_375 = arith.addf %get3A_370, %get3A_374 : vector<16xf32>
        %mul3A_376 = arith.mulf %add3A_375, %get3A_301 : vector<16xf32>
        %max3A_377 = arith.maximumf %scan3A_289, %mul3A_376 : vector<16xf32>
        %get3A_378 = arith.index_cast %scan3A_282 : i32 to index
        %get3A_379 = arith.constant 112 : index
        %get3A_380 = tpu.vector_load %arg12[%get3A_378, %get3A_379] {strides = array<i32>} : memref<80x256xf32, #tpu.memory_space<vmem>>, vector<1x16xf32>,
        %get3A_381 = vector.shape_cast %get3A_380 : vector<1x16xf32> to vector<16xf32>
        %get3A_382 = arith.index_cast %scan3A_282 : i32 to index
        %get3A_383 = arith.constant 112 : index
        %get3A_384 = tpu.vector_load %arg14[%get3A_382, %get3A_383] {strides = array<i32>} : memref<80x256xf32, #tpu.memory_space<vmem>>, vector<1x16xf32>,
        %get3A_385 = vector.shape_cast %get3A_384 : vector<1x16xf32> to vector<16xf32>
        %add3A_386 = arith.addf %get3A_381, %get3A_385 : vector<16xf32>
        %mul3A_387 = arith.mulf %add3A_386, %get3A_301 : vector<16xf32>
        %max3A_388 = arith.maximumf %scan3A_290, %mul3A_387 : vector<16xf32>
        %get3A_389 = arith.index_cast %scan3A_282 : i32 to index
        %get3A_390 = arith.constant 128 : index
        %get3A_391 = tpu.vector_load %arg12[%get3A_389, %get3A_390] {strides = array<i32>} : memref<80x256xf32, #tpu.memory_space<vmem>>, vector<1x16xf32>,
        %get3A_392 = vector.shape_cast %get3A_391 : vector<1x16xf32> to vector<16xf32>
        %get3A_393 = arith.index_cast %scan3A_282 : i32 to index
        %get3A_394 = arith.constant 128 : index
        %get3A_395 = tpu.vector_load %arg14[%get3A_393, %get3A_394] {strides = array<i32>} : memref<80x256xf32, #tpu.memory_space<vmem>>, vector<1x16xf32>,
        %get3A_396 = vector.shape_cast %get3A_395 : vector<1x16xf32> to vector<16xf32>
        %add3A_397 = arith.addf %get3A_392, %get3A_396 : vector<16xf32>
        %mul3A_398 = arith.mulf %add3A_397, %get3A_301 : vector<16xf32>
        %max3A_399 = arith.maximumf %scan3A_291, %mul3A_398 : vector<16xf32>
        %get3A_400 = arith.index_cast %scan3A_282 : i32 to index
        %get3A_401 = arith.constant 144 : index
        %get3A_402 = tpu.vector_load %arg12[%get3A_400, %get3A_401] {strides = array<i32>} : memref<80x256xf32, #tpu.memory_space<vmem>>, vector<1x16xf32>,
        %get3A_403 = vector.shape_cast %get3A_402 : vector<1x16xf32> to vector<16xf32>
        %get3A_404 = arith.index_cast %scan3A_282 : i32 to index
        %get3A_405 = arith.constant 144 : index
        %get3A_406 = tpu.vector_load %arg14[%get3A_404, %get3A_405] {strides = array<i32>} : memref<80x256xf32, #tpu.memory_space<vmem>>, vector<1x16xf32>,
        %get3A_407 = vector.shape_cast %get3A_406 : vector<1x16xf32> to vector<16xf32>
        %add3A_408 = arith.addf %get3A_403, %get3A_407 : vector<16xf32>
        %mul3A_409 = arith.mulf %add3A_408, %get3A_301 : vector<16xf32>
        %max3A_410 = arith.maximumf %scan3A_292, %mul3A_409 : vector<16xf32>
        %get3A_411 = arith.index_cast %scan3A_282 : i32 to index
        %get3A_412 = arith.constant 160 : index
        %get3A_413 = tpu.vector_load %arg12[%get3A_411, %get3A_412] {strides = array<i32>} : memref<80x256xf32, #tpu.memory_space<vmem>>, vector<1x16xf32>,
        %get3A_414 = vector.shape_cast %get3A_413 : vector<1x16xf32> to vector<16xf32>
        %get3A_415 = arith.index_cast %scan3A_282 : i32 to index
        %get3A_416 = arith.constant 160 : index
        %get3A_417 = tpu.vector_load %arg14[%get3A_415, %get3A_416] {strides = array<i32>} : memref<80x256xf32, #tpu.memory_space<vmem>>, vector<1x16xf32>,
        %get3A_418 = vector.shape_cast %get3A_417 : vector<1x16xf32> to vector<16xf32>
        %add3A_419 = arith.addf %get3A_414, %get3A_418 : vector<16xf32>
        %mul3A_420 = arith.mulf %add3A_419, %get3A_301 : vector<16xf32>
        %max3A_421 = arith.maximumf %scan3A_293, %mul3A_420 : vector<16xf32>
        %get3A_422 = arith.index_cast %scan3A_282 : i32 to index
        %get3A_423 = arith.constant 176 : index
        %get3A_424 = tpu.vector_load %arg12[%get3A_422, %get3A_423] {strides = array<i32>} : memref<80x256xf32, #tpu.memory_space<vmem>>, vector<1x16xf32>,
        %get3A_425 = vector.shape_cast %get3A_424 : vector<1x16xf32> to vector<16xf32>
        %get3A_426 = arith.index_cast %scan3A_282 : i32 to index
        %get3A_427 = arith.constant 176 : index
        %get3A_428 = tpu.vector_load %arg14[%get3A_426, %get3A_427] {strides = array<i32>} : memref<80x256xf32, #tpu.memory_space<vmem>>, vector<1x16xf32>,
        %get3A_429 = vector.shape_cast %get3A_428 : vector<1x16xf32> to vector<16xf32>
        %add3A_430 = arith.addf %get3A_425, %get3A_429 : vector<16xf32>
        %mul3A_431 = arith.mulf %add3A_430, %get3A_301 : vector<16xf32>
        %max3A_432 = arith.maximumf %scan3A_294, %mul3A_431 : vector<16xf32>
        %get3A_433 = arith.index_cast %scan3A_282 : i32 to index
        %get3A_434 = arith.constant 192 : index
        %get3A_435 = tpu.vector_load %arg12[%get3A_433, %get3A_434] {strides = array<i32>} : memref<80x256xf32, #tpu.memory_space<vmem>>, vector<1x16xf32>,
        %get3A_436 = vector.shape_cast %get3A_435 : vector<1x16xf32> to vector<16xf32>
        %get3A_437 = arith.index_cast %scan3A_282 : i32 to index
        %get3A_438 = arith.constant 192 : index
        %get3A_439 = tpu.vector_load %arg14[%get3A_437, %get3A_438] {strides = array<i32>} : memref<80x256xf32, #tpu.memory_space<vmem>>, vector<1x16xf32>,
        %get3A_440 = vector.shape_cast %get3A_439 : vector<1x16xf32> to vector<16xf32>
        %add3A_441 = arith.addf %get3A_436, %get3A_440 : vector<16xf32>
        %mul3A_442 = arith.mulf %add3A_441, %get3A_301 : vector<16xf32>
        %max3A_443 = arith.maximumf %scan3A_295, %mul3A_442 : vector<16xf32>
        %get3A_444 = arith.index_cast %scan3A_282 : i32 to index
        %get3A_445 = arith.constant 208 : index
        %get3A_446 = tpu.vector_load %arg12[%get3A_444, %get3A_445] {strides = array<i32>} : memref<80x256xf32, #tpu.memory_space<vmem>>, vector<1x16xf32>,
        %get3A_447 = vector.shape_cast %get3A_446 : vector<1x16xf32> to vector<16xf32>
        %get3A_448 = arith.index_cast %scan3A_282 : i32 to index
        %get3A_449 = arith.constant 208 : index
        %get3A_450 = tpu.vector_load %arg14[%get3A_448, %get3A_449] {strides = array<i32>} : memref<80x256xf32, #tpu.memory_space<vmem>>, vector<1x16xf32>,
        %get3A_451 = vector.shape_cast %get3A_450 : vector<1x16xf32> to vector<16xf32>
        %add3A_452 = arith.addf %get3A_447, %get3A_451 : vector<16xf32>
        %mul3A_453 = arith.mulf %add3A_452, %get3A_301 : vector<16xf32>
        %max3A_454 = arith.maximumf %scan3A_296, %mul3A_453 : vector<16xf32>
        %get3A_455 = arith.index_cast %scan3A_282 : i32 to index
        %get3A_456 = arith.constant 224 : index
        %get3A_457 = tpu.vector_load %arg12[%get3A_455, %get3A_456] {strides = array<i32>} : memref<80x256xf32, #tpu.memory_space<vmem>>, vector<1x16xf32>,
        %get3A_458 = vector.shape_cast %get3A_457 : vector<1x16xf32> to vector<16xf32>
        %get3A_459 = arith.index_cast %scan3A_282 : i32 to index
        %get3A_460 = arith.constant 224 : index
        %get3A_461 = tpu.vector_load %arg14[%get3A_459, %get3A_460] {strides = array<i32>} : memref<80x256xf32, #tpu.memory_space<vmem>>, vector<1x16xf32>,
        %get3A_462 = vector.shape_cast %get3A_461 : vector<1x16xf32> to vector<16xf32>
        %add3A_463 = arith.addf %get3A_458, %get3A_462 : vector<16xf32>
        %mul3A_464 = arith.mulf %add3A_463, %get3A_301 : vector<16xf32>
        %max3A_465 = arith.maximumf %scan3A_297, %mul3A_464 : vector<16xf32>
        %get3A_466 = arith.index_cast %scan3A_282 : i32 to index
        %get3A_467 = arith.constant 240 : index
        %get3A_468 = tpu.vector_load %arg12[%get3A_466, %get3A_467] {strides = array<i32>} : memref<80x256xf32, #tpu.memory_space<vmem>>, vector<1x16xf32>,
        %get3A_469 = vector.shape_cast %get3A_468 : vector<1x16xf32> to vector<16xf32>
        %get3A_470 = arith.index_cast %scan3A_282 : i32 to index
        %get3A_471 = arith.constant 240 : index
        %get3A_472 = tpu.vector_load %arg14[%get3A_470, %get3A_471] {strides = array<i32>} : memref<80x256xf32, #tpu.memory_space<vmem>>, vector<1x16xf32>,
        %get3A_473 = vector.shape_cast %get3A_472 : vector<1x16xf32> to vector<16xf32>
        %add3A_474 = arith.addf %get3A_469, %get3A_473 : vector<16xf32>
        %mul3A_475 = arith.mulf %add3A_474, %get3A_301 : vector<16xf32>
        %max3A_476 = arith.maximumf %scan3A_298, %mul3A_475 : vector<16xf32>
        scf.yield %max3A, %max3A_322, %max3A_333, %max3A_344, %max3A_355, %max3A_366, %max3A_377, %max3A_388, %max3A_399, %max3A_410, %max3A_421, %max3A_432, %max3A_443, %max3A_454, %max3A_465, %max3A_476 : vector<16xf32>, vector<16xf32>, vector<16xf32>, vector<16xf32>, vector<16xf32>, vector<16xf32>, vector<16xf32>, vector<16xf32>, vector<16xf32>, vector<16xf32>, vector<16xf32>, vector<16xf32>, vector<16xf32>, vector<16xf32>, vector<16xf32>, vector<16xf32>
      }
      %scan3A_255 = arith.constant 80 : i32
      %select_n3A_256 = arith.select %lt3A_246, %scan3A_254#0, %select_n3A : vector<16xf32>
      %select_n3A_257 = arith.select %lt3A_246, %scan3A_254#1, %select_n3A_203 : vector<16xf32>
      %select_n3A_258 = arith.select %lt3A_246, %scan3A_254#2, %select_n3A_204 : vector<16xf32>
      %select_n3A_259 = arith.select %lt3A_246, %scan3A_254#3, %select_n3A_205 : vector<16xf32>
      %select_n3A_260 = arith.select %lt3A_246, %scan3A_254#4, %select_n3A_206 : vector<16xf32>
      %select_n3A_261 = arith.select %lt3A_246, %scan3A_254#5, %select_n3A_207 : vector<16xf32>
      %select_n3A_262 = arith.select %lt3A_246, %scan3A_254#6, %select_n3A_208 : vector<16xf32>
      %select_n3A_263 = arith.select %lt3A_246, %scan3A_254#7, %select_n3A_209 : vector<16xf32>
      %select_n3A_264 = arith.select %lt3A_246, %scan3A_254#8, %select_n3A_210 : vector<16xf32>
      %select_n3A_265 = arith.select %lt3A_246, %scan3A_254#9, %select_n3A_211 : vector<16xf32>
      %select_n3A_266 = arith.select %lt3A_246, %scan3A_254#10, %select_n3A_212 : vector<16xf32>
      %select_n3A_267 = arith.select %lt3A_246, %scan3A_254#11, %select_n3A_213 : vector<16xf32>
      %select_n3A_268 = arith.select %lt3A_246, %scan3A_254#12, %select_n3A_214 : vector<16xf32>
      %select_n3A_269 = arith.select %lt3A_246, %scan3A_254#13, %select_n3A_215 : vector<16xf32>
      %select_n3A_270 = arith.select %lt3A_246, %scan3A_254#14, %select_n3A_216 : vector<16xf32>
      %select_n3A_271 = arith.select %lt3A_246, %scan3A_254#15, %select_n3A_217 : vector<16xf32>
      %add3A_272 = arith.constant 2 : i32
      %add3A_273 = arith.addi %add3A_231, %add3A_272 : i32
      %mul3A_274 = arith.constant 32 : i32
      %mul3A_275 = arith.muli %add3A_273, %mul3A_274 : i32
      %add3A_276 = arith.addi %add3A, %mul3A_275 : i32
      %lt3A_277 = arith.constant 2000 : i32
      %lt3A_278 = arith.cmpi slt, %add3A_276, %lt3A_277 : i32
      %convert_element_type3A_279 = arith.extui %lt3A_278 : i1 to i32
      %cond3A_280 = arith.constant 0 : i32
      %cond3A_281 = arith.cmpi ne, %convert_element_type3A_279, %cond3A_280 : i32
      scf.if %cond3A_281 {
        %dma_start3A = arith.constant 0 : i32
        %dma_start3A_282 = arith.constant 0 : i32
        %dma_start3A_283 = tpu.memref_slice %arg3[%add3A_276, %dma_start3A, %dma_start3A_282] : memref<2000x2x80xi32, #tpu.memory_space<hbm>> -> memref<1x2x80xi32, #tpu.memory_space<hbm>>
        %dma_start3A_284 = tpu.memref_squeeze %dma_start3A_283 : memref<1x2x80xi32, #tpu.memory_space<hbm>> -> memref<2x80xi32, #tpu.memory_space<hbm>>
        %dma_start3A_285 = arith.constant 0 : i32
        %dma_start3A_286 = arith.constant 0 : i32
        %dma_start3A_287 = tpu.memref_slice %arg3[%add3A_276, %dma_start3A_285, %dma_start3A_286] : memref<2000x2x80xi32, #tpu.memory_space<hbm>> -> memref<1x2x80xi32, #tpu.memory_space<hbm>>
        %dma_start3A_288 = tpu.memref_squeeze %dma_start3A_287 : memref<1x2x80xi32, #tpu.memory_space<hbm>> -> memref<2x80xi32, #tpu.memory_space<hbm>>
        tpu.enqueue_dma source(%dma_start3A_288 : memref<2x80xi32, #tpu.memory_space<hbm>>) target(%arg8 : memref<2x80xi32, #tpu.memory_space<vmem>>) target_semaphore(%arg20 : memref<!tpu.dma_semaphore, #tpu.memory_space<semaphore_mem>>)
        %dma_start3A_289 = arith.constant 0 : i32
        %dma_start3A_290 = arith.constant 0 : i32
        %dma_start3A_291 = tpu.memref_slice %arg4[%add3A_276, %dma_start3A_289, %dma_start3A_290] : memref<2000x80x16xf32, #tpu.memory_space<hbm>> -> memref<1x80x16xf32, #tpu.memory_space<hbm>>
        %dma_start3A_292 = tpu.memref_squeeze %dma_start3A_291 : memref<1x80x16xf32, #tpu.memory_space<hbm>> -> memref<80x16xf32, #tpu.memory_space<hbm>>
        %dma_start3A_293 = arith.constant 0 : i32
        %dma_start3A_294 = arith.constant 0 : i32
        %dma_start3A_295 = tpu.memref_slice %arg4[%add3A_276, %dma_start3A_293, %dma_start3A_294] : memref<2000x80x16xf32, #tpu.memory_space<hbm>> -> memref<1x80x16xf32, #tpu.memory_space<hbm>>
        %dma_start3A_296 = tpu.memref_squeeze %dma_start3A_295 : memref<1x80x16xf32, #tpu.memory_space<hbm>> -> memref<80x16xf32, #tpu.memory_space<hbm>>
        tpu.enqueue_dma source(%dma_start3A_296 : memref<80x16xf32, #tpu.memory_space<hbm>>) target(%arg10 : memref<80x16xf32, #tpu.memory_space<vmem>>) target_semaphore(%arg22 : memref<!tpu.dma_semaphore, #tpu.memory_space<semaphore_mem>>)
      } else {
      }
      scf.yield %select_n3A_256, %select_n3A_257, %select_n3A_258, %select_n3A_259, %select_n3A_260, %select_n3A_261, %select_n3A_262, %select_n3A_263, %select_n3A_264, %select_n3A_265, %select_n3A_266, %select_n3A_267, %select_n3A_268, %select_n3A_269, %select_n3A_270, %select_n3A_271 : vector<16xf32>, vector<16xf32>, vector<16xf32>, vector<16xf32>, vector<16xf32>, vector<16xf32>, vector<16xf32>, vector<16xf32>, vector<16xf32>, vector<16xf32>, vector<16xf32>, vector<16xf32>, vector<16xf32>, vector<16xf32>, vector<16xf32>, vector<16xf32>
    }
    %scan3A_87 = arith.constant 32 : i32
    %swap3A_88 = arith.constant 0 : index
    %swap3A_89 = tpu.vector_load %arg15[%swap3A_88] {strides = array<i32>} : memref<256xf32, #tpu.memory_space<vmem>>, vector<16xf32>,
    %swap3A_90 = vector.shape_cast %swap3A_89 : vector<16xf32> to vector<16xf32>
    %swap3A_91 = vector.shape_cast %scan3A_86#0 : vector<16xf32> to vector<16xf32>
    tpu.vector_store %arg15[%swap3A_88], %swap3A_91 {strides = array<i32>} : memref<256xf32, #tpu.memory_space<vmem>>, vector<16xf32>,
    %swap3A_92 = arith.constant 16 : index
    %swap3A_93 = tpu.vector_load %arg15[%swap3A_92] {strides = array<i32>} : memref<256xf32, #tpu.memory_space<vmem>>, vector<16xf32>,
    %swap3A_94 = vector.shape_cast %swap3A_93 : vector<16xf32> to vector<16xf32>
    %swap3A_95 = vector.shape_cast %scan3A_86#1 : vector<16xf32> to vector<16xf32>
    tpu.vector_store %arg15[%swap3A_92], %swap3A_95 {strides = array<i32>} : memref<256xf32, #tpu.memory_space<vmem>>, vector<16xf32>,
    %swap3A_96 = arith.constant 32 : index
    %swap3A_97 = tpu.vector_load %arg15[%swap3A_96] {strides = array<i32>} : memref<256xf32, #tpu.memory_space<vmem>>, vector<16xf32>,
    %swap3A_98 = vector.shape_cast %swap3A_97 : vector<16xf32> to vector<16xf32>
    %swap3A_99 = vector.shape_cast %scan3A_86#2 : vector<16xf32> to vector<16xf32>
    tpu.vector_store %arg15[%swap3A_96], %swap3A_99 {strides = array<i32>} : memref<256xf32, #tpu.memory_space<vmem>>, vector<16xf32>,
    %swap3A_100 = arith.constant 48 : index
    %swap3A_101 = tpu.vector_load %arg15[%swap3A_100] {strides = array<i32>} : memref<256xf32, #tpu.memory_space<vmem>>, vector<16xf32>,
    %swap3A_102 = vector.shape_cast %swap3A_101 : vector<16xf32> to vector<16xf32>
    %swap3A_103 = vector.shape_cast %scan3A_86#3 : vector<16xf32> to vector<16xf32>
    tpu.vector_store %arg15[%swap3A_100], %swap3A_103 {strides = array<i32>} : memref<256xf32, #tpu.memory_space<vmem>>, vector<16xf32>,
    %swap3A_104 = arith.constant 64 : index
    %swap3A_105 = tpu.vector_load %arg15[%swap3A_104] {strides = array<i32>} : memref<256xf32, #tpu.memory_space<vmem>>, vector<16xf32>,
    %swap3A_106 = vector.shape_cast %swap3A_105 : vector<16xf32> to vector<16xf32>
    %swap3A_107 = vector.shape_cast %scan3A_86#4 : vector<16xf32> to vector<16xf32>
    tpu.vector_store %arg15[%swap3A_104], %swap3A_107 {strides = array<i32>} : memref<256xf32, #tpu.memory_space<vmem>>, vector<16xf32>,
    %swap3A_108 = arith.constant 80 : index
    %swap3A_109 = tpu.vector_load %arg15[%swap3A_108] {strides = array<i32>} : memref<256xf32, #tpu.memory_space<vmem>>, vector<16xf32>,
    %swap3A_110 = vector.shape_cast %swap3A_109 : vector<16xf32> to vector<16xf32>
    %swap3A_111 = vector.shape_cast %scan3A_86#5 : vector<16xf32> to vector<16xf32>
    tpu.vector_store %arg15[%swap3A_108], %swap3A_111 {strides = array<i32>} : memref<256xf32, #tpu.memory_space<vmem>>, vector<16xf32>,
    %swap3A_112 = arith.constant 96 : index
    %swap3A_113 = tpu.vector_load %arg15[%swap3A_112] {strides = array<i32>} : memref<256xf32, #tpu.memory_space<vmem>>, vector<16xf32>,
    %swap3A_114 = vector.shape_cast %swap3A_113 : vector<16xf32> to vector<16xf32>
    %swap3A_115 = vector.shape_cast %scan3A_86#6 : vector<16xf32> to vector<16xf32>
    tpu.vector_store %arg15[%swap3A_112], %swap3A_115 {strides = array<i32>} : memref<256xf32, #tpu.memory_space<vmem>>, vector<16xf32>,
    %swap3A_116 = arith.constant 112 : index
    %swap3A_117 = tpu.vector_load %arg15[%swap3A_116] {strides = array<i32>} : memref<256xf32, #tpu.memory_space<vmem>>, vector<16xf32>,
    %swap3A_118 = vector.shape_cast %swap3A_117 : vector<16xf32> to vector<16xf32>
    %swap3A_119 = vector.shape_cast %scan3A_86#7 : vector<16xf32> to vector<16xf32>
    tpu.vector_store %arg15[%swap3A_116], %swap3A_119 {strides = array<i32>} : memref<256xf32, #tpu.memory_space<vmem>>, vector<16xf32>,
    %swap3A_120 = arith.constant 128 : index
    %swap3A_121 = tpu.vector_load %arg15[%swap3A_120] {strides = array<i32>} : memref<256xf32, #tpu.memory_space<vmem>>, vector<16xf32>,
    %swap3A_122 = vector.shape_cast %swap3A_121 : vector<16xf32> to vector<16xf32>
    %swap3A_123 = vector.shape_cast %scan3A_86#8 : vector<16xf32> to vector<16xf32>
    tpu.vector_store %arg15[%swap3A_120], %swap3A_123 {strides = array<i32>} : memref<256xf32, #tpu.memory_space<vmem>>, vector<16xf32>,
    %swap3A_124 = arith.constant 144 : index
    %swap3A_125 = tpu.vector_load %arg15[%swap3A_124] {strides = array<i32>} : memref<256xf32, #tpu.memory_space<vmem>>, vector<16xf32>,
    %swap3A_126 = vector.shape_cast %swap3A_125 : vector<16xf32> to vector<16xf32>
    %swap3A_127 = vector.shape_cast %scan3A_86#9 : vector<16xf32> to vector<16xf32>
    tpu.vector_store %arg15[%swap3A_124], %swap3A_127 {strides = array<i32>} : memref<256xf32, #tpu.memory_space<vmem>>, vector<16xf32>,
    %swap3A_128 = arith.constant 160 : index
    %swap3A_129 = tpu.vector_load %arg15[%swap3A_128] {strides = array<i32>} : memref<256xf32, #tpu.memory_space<vmem>>, vector<16xf32>,
    %swap3A_130 = vector.shape_cast %swap3A_129 : vector<16xf32> to vector<16xf32>
    %swap3A_131 = vector.shape_cast %scan3A_86#10 : vector<16xf32> to vector<16xf32>
    tpu.vector_store %arg15[%swap3A_128], %swap3A_131 {strides = array<i32>} : memref<256xf32, #tpu.memory_space<vmem>>, vector<16xf32>,
    %swap3A_132 = arith.constant 176 : index
    %swap3A_133 = tpu.vector_load %arg15[%swap3A_132] {strides = array<i32>} : memref<256xf32, #tpu.memory_space<vmem>>, vector<16xf32>,
    %swap3A_134 = vector.shape_cast %swap3A_133 : vector<16xf32> to vector<16xf32>
    %swap3A_135 = vector.shape_cast %scan3A_86#11 : vector<16xf32> to vector<16xf32>
    tpu.vector_store %arg15[%swap3A_132], %swap3A_135 {strides = array<i32>} : memref<256xf32, #tpu.memory_space<vmem>>, vector<16xf32>,
    %swap3A_136 = arith.constant 192 : index
    %swap3A_137 = tpu.vector_load %arg15[%swap3A_136] {strides = array<i32>} : memref<256xf32, #tpu.memory_space<vmem>>, vector<16xf32>,
    %swap3A_138 = vector.shape_cast %swap3A_137 : vector<16xf32> to vector<16xf32>
    %swap3A_139 = vector.shape_cast %scan3A_86#12 : vector<16xf32> to vector<16xf32>
    tpu.vector_store %arg15[%swap3A_136], %swap3A_139 {strides = array<i32>} : memref<256xf32, #tpu.memory_space<vmem>>, vector<16xf32>,
    %swap3A_140 = arith.constant 208 : index
    %swap3A_141 = tpu.vector_load %arg15[%swap3A_140] {strides = array<i32>} : memref<256xf32, #tpu.memory_space<vmem>>, vector<16xf32>,
    %swap3A_142 = vector.shape_cast %swap3A_141 : vector<16xf32> to vector<16xf32>
    %swap3A_143 = vector.shape_cast %scan3A_86#13 : vector<16xf32> to vector<16xf32>
    tpu.vector_store %arg15[%swap3A_140], %swap3A_143 {strides = array<i32>} : memref<256xf32, #tpu.memory_space<vmem>>, vector<16xf32>,
    %swap3A_144 = arith.constant 224 : index
    %swap3A_145 = tpu.vector_load %arg15[%swap3A_144] {strides = array<i32>} : memref<256xf32, #tpu.memory_space<vmem>>, vector<16xf32>,
    %swap3A_146 = vector.shape_cast %swap3A_145 : vector<16xf32> to vector<16xf32>
    %swap3A_147 = vector.shape_cast %scan3A_86#14 : vector<16xf32> to vector<16xf32>
    tpu.vector_store %arg15[%swap3A_144], %swap3A_147 {strides = array<i32>} : memref<256xf32, #tpu.memory_space<vmem>>, vector<16xf32>,
    %swap3A_148 = arith.constant 240 : index
    %swap3A_149 = tpu.vector_load %arg15[%swap3A_148] {strides = array<i32>} : memref<256xf32, #tpu.memory_space<vmem>>, vector<16xf32>,
    %swap3A_150 = vector.shape_cast %swap3A_149 : vector<16xf32> to vector<16xf32>
    %swap3A_151 = vector.shape_cast %scan3A_86#15 : vector<16xf32> to vector<16xf32>
    tpu.vector_store %arg15[%swap3A_148], %swap3A_151 {strides = array<i32>} : memref<256xf32, #tpu.memory_space<vmem>>, vector<16xf32>,
    "tpu.region"() ({
      %run_scoped3A = tpu.sem_alloc : memref<!tpu.dma_semaphore, #tpu.memory_space<semaphore_mem>>
      %dma_start3A = arith.constant 0 : i32
      %dma_start3A_158 = tpu.memref_slice %arg5[%add3A, %dma_start3A] : memref<32x256xf32, #tpu.memory_space<hbm>> -> memref<1x256xf32, #tpu.memory_space<hbm>>
      %dma_start3A_159 = tpu.memref_squeeze %dma_start3A_158 : memref<1x256xf32, #tpu.memory_space<hbm>> -> memref<256xf32, #tpu.memory_space<hbm>>
      %dma_start3A_160 = arith.constant 0 : i32
      %dma_start3A_161 = tpu.memref_slice %arg5[%add3A, %dma_start3A_160] : memref<32x256xf32, #tpu.memory_space<hbm>> -> memref<1x256xf32, #tpu.memory_space<hbm>>
      %dma_start3A_162 = tpu.memref_squeeze %dma_start3A_161 : memref<1x256xf32, #tpu.memory_space<hbm>> -> memref<256xf32, #tpu.memory_space<hbm>>
      tpu.enqueue_dma source(%arg15 : memref<256xf32, #tpu.memory_space<vmem>>) target(%dma_start3A_162 : memref<256xf32, #tpu.memory_space<hbm>>) target_semaphore(%run_scoped3A : memref<!tpu.dma_semaphore, #tpu.memory_space<semaphore_mem>>)
      %dma_wait3A = arith.constant 0 : i32
      %dma_wait3A_163 = tpu.memref_slice %arg5[%add3A, %dma_wait3A] : memref<32x256xf32, #tpu.memory_space<hbm>> -> memref<1x256xf32, #tpu.memory_space<hbm>>
      %dma_wait3A_164 = tpu.memref_squeeze %dma_wait3A_163 : memref<1x256xf32, #tpu.memory_space<hbm>> -> memref<256xf32, #tpu.memory_space<hbm>>
      %dma_wait3A_165 = arith.constant 0 : i32
      %dma_wait3A_166 = tpu.memref_slice %arg5[%add3A, %dma_wait3A_165] : memref<32x256xf32, #tpu.memory_space<hbm>> -> memref<1x256xf32, #tpu.memory_space<hbm>>
      %dma_wait3A_167 = tpu.memref_squeeze %dma_wait3A_166 : memref<1x256xf32, #tpu.memory_space<hbm>> -> memref<256xf32, #tpu.memory_space<hbm>>
      tpu.wait_dma2 semaphore(%run_scoped3A : memref<!tpu.dma_semaphore, #tpu.memory_space<semaphore_mem>>) src(%arg15 : memref<256xf32, #tpu.memory_space<vmem>>) dst(%dma_wait3A_167 : memref<256xf32, #tpu.memory_space<hbm>>)
      tpu.yield
    }) : () -> ()
    %barrier3A_152 = arith.constant 0 : index
    tpu.barrier barrier_id(%barrier3A_152)
    %eq3A_153 = arith.constant 0 : i32
    %eq3A_154 = arith.cmpi eq, %arg1, %eq3A_153 : i32
    %convert_element_type3A_155 = arith.extui %eq3A_154 : i1 to i32
    %cond3A_156 = arith.constant 0 : i32
    %cond3A_157 = arith.cmpi ne, %convert_element_type3A_155, %cond3A_156 : i32
    scf.if %cond3A_157 {
      "tpu.region"() ({
        %run_scoped3A = tpu.sem_alloc : memref<!tpu.dma_semaphore, #tpu.memory_space<semaphore_mem>>
        %dma_start3A = arith.constant 0 : i32
        %dma_start3A_158 = tpu.memref_slice %arg6[%arg0, %dma_start3A] : memref<2x10000xi32, #tpu.memory_space<hbm>> -> memref<1x10000xi32, #tpu.memory_space<hbm>>
        %dma_start3A_159 = tpu.memref_squeeze %dma_start3A_158 : memref<1x10000xi32, #tpu.memory_space<hbm>> -> memref<10000xi32, #tpu.memory_space<hbm>>
        tpu.enqueue_dma source(%arg18 : memref<10000xi32, #tpu.memory_space<vmem_shared>>) target(%dma_start3A_159 : memref<10000xi32, #tpu.memory_space<hbm>>) target_semaphore(%run_scoped3A : memref<!tpu.dma_semaphore, #tpu.memory_space<semaphore_mem>>)
        %dma_wait3A = arith.constant 0 : i32
        %dma_wait3A_160 = tpu.memref_slice %arg6[%arg0, %dma_wait3A] : memref<2x10000xi32, #tpu.memory_space<hbm>> -> memref<1x10000xi32, #tpu.memory_space<hbm>>
        %dma_wait3A_161 = tpu.memref_squeeze %dma_wait3A_160 : memref<1x10000xi32, #tpu.memory_space<hbm>> -> memref<10000xi32, #tpu.memory_space<hbm>>
        tpu.wait_dma2 semaphore(%run_scoped3A : memref<!tpu.dma_semaphore, #tpu.memory_space<semaphore_mem>>) src(%arg18 : memref<10000xi32, #tpu.memory_space<vmem_shared>>) dst(%dma_wait3A_161 : memref<10000xi32, #tpu.memory_space<hbm>>)
        tpu.yield
      }) : () -> ()
    } else {
    }
    return
  }
}

module attributes {stable_mosaic.version = 14 : i64} {
  func.func @_matmul_body(%arg0: i32, %arg1: memref<1000x256xf32, #tpu.memory_space<vmem>>, %arg2: memref<256x256xf32, #tpu.memory_space<vmem>>, %arg3: memref<1000x256xf32, #tpu.memory_space<vmem>>) attributes {dimension_semantics = [#tpu.dimension_semantics<arbitrary>], iteration_bounds = array<i64: 10>, scalar_prefetch = 0 : i64, scratch_operands = 0 : i64, tpu.core_type = #tpu.core_type<tc>, window_params = [{transform_indices = @transform_0, window_bounds = array<i64: 1000, 256>}, {pipeline_mode = #tpu.pipeline_mode<synchronous>, transform_indices = @transform_1, window_bounds = array<i64: 256, 256>}, {transform_indices = @transform_2, window_bounds = array<i64: 1000, 256>}]} {
    %get3A = arith.constant 0 : index
    %get3A_0 = arith.constant 0 : index
    %get3A_1 = vector.load %arg1[%get3A, %get3A_0] : memref<1000x256xf32, #tpu.memory_space<vmem>>, vector<1000x256xf32>
    %get3A_2 = arith.constant 0 : index
    %get3A_3 = arith.constant 0 : index
    %get3A_4 = vector.load %arg2[%get3A_2, %get3A_3] : memref<256x256xf32, #tpu.memory_space<vmem>>, vector<256x256xf32>
    %dot_general3A = arith.constant dense<0.000000e+00> : vector<1000x256xf32>
    %dot_general3A_5 = tpu.matmul %get3A_1, %get3A_4, %dot_general3A {dimension_numbers = #tpu.dot_dimension_numbers<[1], [0], [0], [1], [0, 0, 1, 1], [], []>, transpose_lhs_hint = false} : vector<1000x256xf32>, vector<256x256xf32>, vector<1000x256xf32> -> vector<1000x256xf32>
    %swap3A = arith.constant 0 : index
    %swap3A_6 = arith.constant 0 : index
    %swap3A_7 = vector.load %arg3[%swap3A, %swap3A_6] : memref<1000x256xf32, #tpu.memory_space<vmem>>, vector<1000x256xf32>
    tpu.vector_store %arg3[%swap3A, %swap3A_6], %dot_general3A_5 {strides = array<i32>} : memref<1000x256xf32, #tpu.memory_space<vmem>>, vector<1000x256xf32>,
    return
  }
  func.func @transform_0(%arg0: i32) -> (i32, i32) {
    %c0_i32 = arith.constant 0 : i32
    %c0_i32_0 = arith.constant 0 : i32
    return %arg0, %c0_i32 : i32, i32
  }
  func.func @transform_1(%arg0: i32) -> (i32, i32) {
    %c0_i32 = arith.constant 0 : i32
    %c0_i32_0 = arith.constant 0 : i32
    %c0_i32_1 = arith.constant 0 : i32
    return %c0_i32, %c0_i32_0 : i32, i32
  }
  func.func @transform_2(%arg0: i32) -> (i32, i32) {
    %c0_i32 = arith.constant 0 : i32
    %c0_i32_0 = arith.constant 0 : i32
    return %arg0, %c0_i32 : i32, i32
  }
}

module attributes {stable_mosaic.version = 14 : i64} {
  func.func @_combine_body(%arg0: memref<32x256xf32, #tpu.memory_space<vmem>>, %arg1: memref<2x10000xi32, #tpu.memory_space<vmem>>, %arg2: memref<1x256xf32, #tpu.memory_space<vmem>>, %arg3: memref<1x256xf32, #tpu.memory_space<vmem>>) attributes {dimension_semantics = [], scalar_prefetch = 0 : i64, scratch_operands = 0 : i64, tpu.core_type = #tpu.core_type<tc>} {
    %get3A = arith.constant 0 : index
    %get3A_0 = arith.constant 0 : index
    %get3A_1 = vector.load %arg0[%get3A, %get3A_0] : memref<32x256xf32, #tpu.memory_space<vmem>>, vector<32x256xf32>
    %reduce_max3A = arith.constant dense<0xFF800000> : vector<256xf32>
    %reduce_max3A_2 = vector.multi_reduction <maximumf>, %get3A_1, %reduce_max3A [0] : vector<32x256xf32> to vector<256xf32>
    %broadcast_in_dim3A = vector.shape_cast %reduce_max3A_2 : vector<256xf32> to vector<1x256xf32>
    %get3A_3 = arith.constant 0 : index
    %get3A_4 = arith.constant 0 : index
    %get3A_5 = vector.load %arg2[%get3A_3, %get3A_4] : memref<1x256xf32, #tpu.memory_space<vmem>>, vector<1x256xf32>
    %add3A = arith.addf %broadcast_in_dim3A, %get3A_5 : vector<1x256xf32>
    %get3A_6 = arith.constant 0 : index
    %get3A_7 = arith.constant 0 : index
    %get3A_8 = vector.load %arg1[%get3A_6, %get3A_7] : memref<2x10000xi32, #tpu.memory_space<vmem>>, vector<1x10000xi32>
    %get3A_9 = arith.constant 1 : index
    %get3A_10 = arith.constant 0 : index
    %get3A_11 = vector.load %arg1[%get3A_9, %get3A_10] : memref<2x10000xi32, #tpu.memory_space<vmem>>, vector<1x10000xi32>
    %add3A_12 = arith.addi %get3A_8, %get3A_11 : vector<1x10000xi32>
    %reduce_min3A = vector.shape_cast %add3A_12 : vector<1x10000xi32> to vector<1x1x10000xi32>
    %reduce_min3A_13 = arith.constant dense<2147483647> : vector<1xi32>
    %reduce_min3A_14 = vector.multi_reduction <minsi>, %reduce_min3A, %reduce_min3A_13 [1, 2] : vector<1x1x10000xi32> to vector<1xi32>
    %reduce_min3A_15 = vector.shape_cast %reduce_min3A_14 : vector<1xi32> to vector<1x1x1xi32>
    %reduce_min3A_16 = vector.extract %reduce_min3A_15[0, 0, 0] : i32 from vector<1x1x1xi32>
    %eq3A = arith.constant 0 : i32
    %eq3A_17 = arith.cmpi eq, %reduce_min3A_16, %eq3A : i32
    %max3A = arith.constant 0.000000e+00 : f32
    %max3A_18 = vector.broadcast %max3A : f32 to vector<1x256xf32>
    %max3A_19 = arith.maximumf %add3A, %max3A_18 : vector<1x256xf32>
    %select_n3A = arith.select %eq3A_17, %max3A_19, %add3A : vector<1x256xf32>
    %swap3A = arith.constant 0 : index
    %swap3A_20 = arith.constant 0 : index
    %swap3A_21 = vector.load %arg3[%swap3A, %swap3A_20] : memref<1x256xf32, #tpu.memory_space<vmem>>, vector<1x256xf32>
    tpu.vector_store %arg3[%swap3A, %swap3A_20], %select_n3A {strides = array<i32>} : memref<1x256xf32, #tpu.memory_space<vmem>>, vector<1x256xf32>,
    return
  }
}

</mosaic_0001>

<sc_bundles>
// kernel: kernel.5.cloned.1.call-start
scs
__scs_entry_jumppad:
0x0: {  	(pc) =	sbr.rel $0x88, $3  }
0x1: {  	(tag) =	ssettag $0x0;
	lr =	simm.s32 $0x1  }
0x2: {  	[smem:$0x3F9C] =	sst lr;
	_ =	strace $0xD0000000  }
0x3: {  	_ = 	snop  }
0x4: {  	_ = 	snop  }
0x5: {  	_ = 	snop  }
0x6: {  	_ = 	snop  }
0x7: {  	_ = 	snop  }
__scs_overlays_trampoline_lowered:
0x8: {  	[smem:$0x3FAB] =	sst s0  }
0x9: {  	[smem:$0x3FAC] =	sst s1  }
0xa: {  	[smem:$0x3FAD] =	sst s2  }
0xb: {  	[smem:$0x3FAE] =	sst s3  }
0xc: {  	[smem:$0x3FAF] =	sst s4  }
0xd: {  	[smem:$0x3FB0] =	sst s5  }
0xe: {  	[smem:$0x3FB1] =	sst s6  }
0xf: {  	[smem:$0x3FB2] =	sst s7  }
0x10: {  	[smem:$0x3FB3] =	sst s8  }
0x11: {  	[smem:$0x3FB4] =	sst s9;
	s0 =	simm.s32 @!p0 $0x0  }
0x12: {  	s1 =	sld [smem:$0x3F9A];
	s0 =	simm.s32 @p0 $0x1  }
0x13: {  	[smem:$0x3FB5] =	sst s0;
	s0 =	simm.s32 @!p1 $0x0  }
0x14: {  	s2 =	sld [smem:$0x3F99];
	s0 =	simm.s32 @p1 $0x1  }
0x15: {  	[smem:$0x3FB6] =	sst s0;
	s0 =	simm.s32 @!p2 $0x0  }
0x16: {  	s3 =	sld [smem:$0x3FDB];
	s0 =	simm.s32 @p2 $0x1  }
0x17: {  	s4 =	simm.s32 $0x1BF5;
	[smem:$0x3FB8] =	sst s0  }
0x18: {  	s0 =	sld [smem:$0x3F9B];
	_ =	swait.ge [sflag:s4], $0x0  }
0x19: {  	s7 =	sld [smem:$0x3F9C]  }
0x1a: {  	s8 =	sadd.s32 $0xFFFFE003, lr  }
0x1b: {  	s9 =	sadd.s32 $0xFFFFFEF7, lr;
	s5 =	simm.s32 $0xFFFFFFFF;
	p2 =	slt.u32 s8, $0xFFFFF086  }
0x1c: {  	p1 =	slt.u32 s9, $0xF7A;
	s5 =	simm.s32 @!p2 $0x0  }
0x1d: {  	s5 =	simm.s32 @p1 $0x1;
	p0 =	seq.s32 s7, s2  }
0x1e: {  	s7 =	smul.u32 @!p0 $0xF7A, s2;
	p2 =	seq.s32 @!p0 s5, $0x0  }
0x1f: {  	s9 =	smul.u32 $0xF7A, s1;
	s8 =	simm.s32 @!p0 $0x1BF5;
	p2 =	por !p2, p0  }
0x20: {  	[sflag:s8] =	ssyncset.s32 @!p0 $0xFFFFF086;
	s6 =	sadd.s32 @!p0 s3, s7;
	s7 =	simm.s32 @!p0 $0x108  }
0x21: {  	s3 =	sadd.s32 s3, s9;
	s6 =	sadd.s32 @!p0 $0x88, s6;
	s7 =	simm.s32 @p2 $0x1082  }
0x22: {  	[simem:s7], [sflag:s8] =	dma.local @!p0 [hbm:s6], $0xF7A  }
0x23: {  	s9 =	sor.u32 $0xD0000000, s2;
	s6 =	simm.s32 $0x108;
	_ =	swait.ge @!p0 [sflag:s8], $0x0  }
0x24: {  	s3 =	sadd.s32 $0x88, s3;
	s6 =	simm.s32 @!p1 $0x1082;
	[sflag:s4] =	ssyncset.s32 $0xFFFFF086  }
0x25: {  	[simem:s6], [sflag:s4] =	dma.local [hbm:s3], $0xF7A  }
0x26: {  	[smem:$0x3F9C] =	sst s1;
	(tag) =	ssettag s2;
	_ =	strace s9  }
0x27: {  	s1 =	sld [smem:$0x3FAC]  }
0x28: {  	s2 =	sld [smem:$0x3FAD]  }
0x29: {  	s4 =	sld [smem:$0x3FAF]  }
0x2a: {  	p0 =	seq.s32 s5, $0x0;
	s5 =	sld [smem:$0x3FB0]  }
0x2b: {  	s6 =	sld [smem:$0x3FB1]  }
0x2c: {  	s7 =	sld [smem:$0x3FB2]  }
0x2d: {  	s3 =	simm.s32 $0x108;
	s8 =	sld [smem:$0x3FB3]  }
0x2e: {  	s3 =	simm.s32 @!p0 $0x1082;
	s9 =	sld [smem:$0x3FB4]  }
0x2f: {  	lr =	sadd.s32 s0, s3;
	s0 =	sld [smem:$0x3FAB]  }
0x30: {  	s3 =	sld [smem:$0x3FAE]  }
0x31: {  	[smem:$0x3FB7] =	sst s10  }
0x32: {  	s10 =	sld [smem:$0x3FB5];
	_ =	sdelay $0x3  }
0x33: {  	p0 =	seq.s32 s10, $0x1;
	s10 =	sld [smem:$0x3FB7];
	_ =	sdelay $0x3  }
0x34: {  	[smem:$0x3FB7] =	sst s10  }
0x35: {  	s10 =	sld [smem:$0x3FB6];
	_ =	sdelay $0x3  }
0x36: {  	p1 =	seq.s32 s10, $0x1;
	s10 =	sld [smem:$0x3FB7];
	_ =	sdelay $0x3  }
0x37: {  	[smem:$0x3FB7] =	sst s10  }
0x38: {  	s10 =	sld [smem:$0x3FB8]  }
0x39: {  	_ = 	snop;
	(pc) =	sbr.ind lr, $3  }
0x3a: {  	_ = 	snop  }
0x3b: {  	_ = 	snop  }
0x3c: {  	p2 =	seq.s32 s10, $0x1;
	s10 =	sld [smem:$0x3FB7]  }
0x3d: {  	_ =	shalt  }
0x3e: {  	_ =	shalt  }
0x3f: {  	_ =	shalt  }
0x40: {  	_ =	shalt  }
0x41: {  	_ =	shalt  }
0x42: {  	_ =	shalt  }
0x43: {  	_ =	shalt  }
0x44: {  	_ =	shalt  }
0x45: {  	_ =	shalt  }
0x46: {  	_ =	shalt  }
0x47: {  	_ =	shalt  }
0x48: {  	_ =	shalt  }
0x49: {  	_ =	shalt  }
0x4a: {  	_ =	shalt  }
0x4b: {  	_ =	shalt  }
0x4c: {  	_ =	shalt  }
0x4d: {  	_ =	shalt  }
0x4e: {  	_ =	shalt  }
0x4f: {  	_ =	shalt  }
0x50: {  	_ =	shalt  }
0x51: {  	_ =	shalt  }
0x52: {  	_ =	shalt  }
0x53: {  	_ =	shalt  }
0x54: {  	_ =	shalt  }
0x55: {  	_ =	shalt  }
0x56: {  	_ =	shalt  }
0x57: {  	_ =	shalt  }
0x58: {  	_ =	shalt  }
0x59: {  	_ =	shalt  }
0x5a: {  	_ =	shalt  }
0x5b: {  	_ =	shalt  }
0x5c: {  	_ =	shalt  }
0x5d: {  	_ =	shalt  }
0x5e: {  	_ =	shalt  }
0x5f: {  	_ =	shalt  }
0x60: {  	_ =	shalt  }
0x61: {  	_ =	shalt  }
0x62: {  	_ =	shalt  }
0x63: {  	_ =	shalt  }
0x64: {  	_ =	shalt  }
0x65: {  	_ =	shalt  }
0x66: {  	_ =	shalt  }
0x67: {  	_ =	shalt  }
0x68: {  	_ =	shalt  }
0x69: {  	_ =	shalt  }
0x6a: {  	_ =	shalt  }
0x6b: {  	_ =	shalt  }
0x6c: {  	_ =	shalt  }
0x6d: {  	_ =	shalt  }
0x6e: {  	_ =	shalt  }
0x6f: {  	_ =	shalt  }
0x70: {  	_ =	shalt  }
0x71: {  	_ =	shalt  }
0x72: {  	_ =	shalt  }
0x73: {  	_ =	shalt  }
0x74: {  	_ =	shalt  }
0x75: {  	_ =	shalt  }
0x76: {  	_ =	shalt  }
0x77: {  	_ =	shalt  }
0x78: {  	_ =	shalt  }
0x79: {  	_ =	shalt  }
0x7a: {  	_ =	shalt  }
0x7b: {  	_ =	shalt  }
0x7c: {  	_ =	shalt  }
0x7d: {  	_ =	shalt  }
0x7e: {  	_ =	shalt  }
0x7f: {  	_ =	shalt  }
0x80: {  	_ =	shalt  }
0x81: {  	_ =	shalt  }
0x82: {  	_ =	shalt  }
0x83: {  	_ =	shalt  }
0x84: {  	_ =	shalt  }
0x85: {  	_ =	shalt  }
0x86: {  	_ =	shalt  }
0x87: {  	_ =	shalt  }
.Lfunc_end0:
.L_simem_size_0:
called_computation_lowered:
.L_overlay_start_0:
0x88: {  	s2 =	sld [smem:$0x3FD9]  }
0x89: {  	s3 =	sld [smem:$0x3FFE];
	_ =	sdelay $0x1  }
0x8a: {  	s1 =	srdreg.scid  }
0x8b: {  	s0 =	sand.u32 $0x1, s1  }
0x8c: {  	s16 =	sshll.u32 s0, $0xA;
	s2 =	sadd.s32 s3, s2  }
0x8d: {  	s2 =	sadd.s32 s2, s16  }
0x8e: {  	[smem:$0x3FC3] =	sst s2  }
0x8f: {  	_ = 	snop  }
0x90: {  	(tm) =	ssettm $0x1  }
0x91: {  	s17 =	sld [smem:$0x3FFB];
	_ =	sdelay $0x3  }
0x92: {  	_ =	strace s17  }
0x93: {  	s2 =	sld [smem:$0x3FFC];
	_ =	sdelay $0x3  }
0x94: {  	_ =	strace s2  }
0x95: {  	s2 =	sld [smem:$0x3FFD];
	_ =	sdelay $0x3  }
0x96: {  	_ =	strace s2  }
0x97: {  	_ =	strace $0x8FFFFFFF  }
0x98: {  	s18 =	sld [smem:$0x3FDB];
	_ =	sdelay $0x1  }
0x99: {  	s19 =	simm.s32 $_scs_section_size  }
0x9a: {  	s4 =	simm.s32 $_size__tile_overlayer_lowered;
	s5 =	simm.s32 $_tile_overlayer_lowered  }
0x9b: {  	s22 =	simm.s32 $0x1BFF;
	s21 =	sshll.u32 s5, $0x1;
	s2 =	sadd.s32 s19, s18  }
0x9c: {  	s6 =	simm.s32 $0x0;
	s20 =	sshll.u32 s4, $0x1;
	s4 =	sadd.s32 s21, s2  }
0x9d: {  	[timem:s6], [sflag:s22] =	dma.local [hbm:s4], s20  }
0x9e: {  	_ =	swait.ge [sflag:s22], s20  }
0x9f: {  	s3 =	ssub.s32 $0x0, s20;
	[sflag:s22] =	ssyncset.done $0x0  }
0xa0: {  	[sflag:s22] =	ssyncadd.s32 s3;
	_ =	sdelay $0x1  }
0xa1: {  	s23 =	simm.s32 $0x1B8B  }
0xa2: {  	_ =	swait.ge [sflag:s23], $0x1  }
0xa3: {  	[sflag:s23] =	ssyncset.done $0x0  }
0xa4: {  	s25 =	simm.s32 $0x1B8E;
	s24 =	sld [smem:$0x3FFE];
	[sflag:s23] =	ssyncadd.s32 $0xFFFFFFFF  }
0xa5: {  	s26 =	simm.s32 $execute0_lowered;
	[smem:$0x3FD2] =	sst s25  }
0xa6: {  	s4 =	sshll.u32 s26, $0x1;
	_ =	strace $0x80000046;
	[dreg:$0x1] =	wrdreg $0xFFFFFFFF  }
0xa7: {  	s28 =	simm.s32 $_size_execute0_lowered;
	s2 =	sadd.s32 s2, s4;
	[dreg:$0x0] =	wrdreg $0x0  }
0xa8: {  	s4 =	sshll.u32 s28, $0x1;
	[dreg:$0x2] =	wrdreg s2  }
0xa9: {  	[dreg:$0x3] =	wrdreg s4  }
0xaa: {  	[dreg:$0x4] =	wrdreg $0xC0  }
0xab: {  	_ =	task [dreg:s6], $0x5FFFF  }
0xac: {  	[dreg:$0x1] =	wrdreg $0xFFFFFFFF  }
0xad: {  	[dreg:$0x0] =	wrdreg $0x60  }
0xae: {  	[dreg:$0x2] =	wrdreg s24  }
0xaf: {  	[dreg:$0x3] =	wrdreg $0x1BB000  }
0xb0: {  	[dreg:$0x4] =	wrdreg $0x9  }
0xb1: {  	_ =	task.clear_ibuf [dreg:s6], $0x5FFFF;
	_ =	strace $0x90000046  }
0xb2: {  	s29 =	simm.s32 $0x9;
	_ =	strace $0x80000048  }
0xb3: {  	_ =	swait.ge [sflag:s29], $0x1  }
0xb4: {  	[sflag:s29] =	ssyncadd.s32 $0xFFFFFFFF  }
0xb5: {  	_ =	strace $0x90000048  }
0xb6: {  	_ =	sfence  }
0xb7: {  	s30 =	sld [smem:$0x0];
	_ =	sdelay $0x2  }
0xb8: {  	s31 =	sshll.u32 s1, $0xD;
	s1 =	sshrl.u32 s1, $0x2  }
0xb9: {  	s3 =	sand.u32 $0x4000, s31;
	s1 =	sadd.s32 s1, s30  }
0xba: {  	s0 =	sor.u32 s3, s0;
	s1 =	sshll.u32 s1, $0x11  }
0xbb: {  	s0 =	sor.u32 s1, s0  }
0xbc: {  	s0 =	sadd.s32 $0x8F2B, s0  }
0xbd: {  	[sflag:s0] =	ssyncadd.remote.s32 $0x1  }
0xbe: {  	_ =	sfence.sel $0xFFFF  }
0xbf: {  	[dreg:$0x0] =	wrdreg $0xFFFFFFFF;
	(pc) =	sbr.abs _section_cstart, $3  }
0xc0: {  	[dreg:$0x1] =	wrdreg $0xFFFFFFFF  }
0xc1: {  	_ =	task.clear_ibuf [dreg:s6], $0x2FFFF;
	_ =	strace $0x9FFFFFFF  }
0xc2: {  	(tm) =	ssettm $0x7FFFFFFF  }
0xc3: {  	_ =	shalt  }
tec
execute0_lowered:
.L_overlay_start_1:
0x0: {  	(tag) =	ssettag $0x1  }
0x1: {  	s0 =	rddreg [dreg:$0x0]  }
0x2: {  	s1 =	rddreg [dreg:$0x1];
	s2 =	simm.s32 $0x0;
	s6 =	stileid.u32  }
0x3: {  	s5 =	srdreg.scid;
	s18 =	simm.s32 $0x9;
	s22 =	simm.s32 $0x1  }
0x4: {  	s16 =	simm.s32 $0x12A00;
	s19 =	simm.s32 $0x13200;
	s28 =	simm.s32 $0x19300  }
0x5: {  	s29 =	simm.s32 $0x2;
	s30 =	simm.s32 $0x4;
	[smem:$0x7FF] =	sst s2  }
0x6: {  	s3 =	sadd.s32 $0x10800, s0;
	s4 =	sadd.s32 $0xE00, s0;
	s7 =	sshll.u32 s6, $0x4  }
0x7: {  	s8 =	sand.u32 $0x1, s5;
	s5 =	sadd.s32 $0x5EA00, s0;
	p0 =	sne.s32 s6, $0x0  }
0x8: {  	_ =	strace $0x80000047;
	s7 =	sand.u32 $0x70, s7;
	s9 =	sshll.u32 s8, $0x4  }
0x9: {  	s8 =	ssub.s32 $0x2, s8;
	s7 =	sadd.s32 s7, s0;
	s13 =	sor.u32 s6, s9  }
0xa: {  	s0 =	sadd.s32 s9, s0;
	s12 =	sshrl.u32 s8, $0x1;
	s10 =	smul.u32 $0x500, s13  }
0xb: {  	s11 =	sor.u32 $0x20, s13;
	s14 =	sshll.u32 s13, $0x5;
	s8 =	ssub.s32 s8, s12  }
0xc: {  	s12 =	sor.u32 $0x40, s13;
	s13 =	sor.u32 $0x60, s13;
	s0 =	sadd.s32 $0x2CFA00, s0  }
0xd: {  	s15 =	smul.u32 $0x500, s11;
	s23 =	sadd.s32 s4, s14;
	s11 =	sshll.u32 s11, $0x5  }
0xe: {  	s26 =	sand.u32 $0x300, s14;
	[dreg:$0x8] =	wrdreg s0;
	s31 =	smax.u32 s8, $0x1  }
0xf: {  	s14 =	simm.s32 $0x11A00;
	[dreg:$0x3] =	wrdreg s23;
	s10 =	sadd.s32 s5, s10  }
0x10: {  	s24 =	sadd.s32 s4, s11;
	s11 =	sxor.u32 $0x7D0, s9;
	[dreg:$0x9] =	wrdreg s31  }
0x11: {  	s7 =	sadd.s32 s26, s7;
	s23 =	simm.s32 $0x3;
	[dreg:$0x4] =	wrdreg s10  }
0x12: {  	v4 =	vlaneseq.u32;
	s26 =	simm.s32 $0x80;
	[dreg:$0x5] =	wrdreg s24;
	s25 =	sadd.s32 s5, s15  }
0x13: {  	v0 =	vand.u32 $0x7, v4;
	s10 =	sxor.u32 $0x7B0, s9;
	s7 =	sadd.s32 $0x2D0400, s7;
	s9 =	simm.s32 $0x11200  }
0x14: {  	v3 =	vshrl.u32 v4, $0x3;
	[tilespmem:$0x1FFE0] =	vst v0;
	v0 =	vor.u32 $0x8, v4;
	s15 =	simm.s32 $0x12200;
	s24 =	simm.s32 $0x13A00;
	[dreg:$0x6] =	wrdreg s25  }
0x15: {  	v1 =	vimm.s32 $0x0;
	vm0 =	vmmov $0xffff;
	v3 =	vmul.u32 $0x8, v3;
	[tilespmem:$0x1FFF0] =	vst v0;
	[dreg:$0x7] =	wrdreg s7;
	s25 =	simm.s32 $0x50;
	s7 =	simm.s32 $0x0  }
.LBB2_1:
0x16: {  	v0 =	vimm.s32 $0x1  }
.Ltmp0:
0x17: {  	[tilespmem:$0x19300] =	vst v0;
	(pc) =	sbr.rel @p0 .LBB2_5-.Ltmp0, $4  }
0x18: {  	[tilespmem:$0x19310] =	vst v0  }
0x19: {  	[tilespmem:$0x19320] =	vst v0  }
0x1a: {  	[tilespmem:$0x19330] =	vst v0  }
0x1b: {  	[tilespmem:$0x19340] =	vst v0  }
0x1c: {  	s0 =	simm.s32 $0x40;
	s6 =	simm.s32 $0x0  }
.LBB2_3:
0x1d: {  	p1 =	sne.s32 s0, $0x9C00;
	[tilespmem:s6+$0x19380] =	vst v1;
	s6 =	smov.u32 s0;
	s0 =	sadd.s32 $0x40, s0  }
.Ltmp1:
0x1e: {  	(pc) =	sbr.rel @p1 .LBB2_3-.Ltmp1, $2  }
0x1f: {  	_ =	sdelay $0x2  }
0x20: {  	s6 =	sshra.s32 s6, $0x2  }
0x21: {  	[tilespmem:s6+$0x19380] =	vst v1;
	s0 =	simm.s32 $0x19380  }
0x22: {  	[spmem:s1] =	stream.linear.scatter [tilespmem:s0], [sflag:$0x9], $0x2780, $0x38;
	[tilespmem:$0x1BD78] =	vst v63  }
0x23: {  	_ =	swait.ge [sflag:s18], $0x2780  }
0x24: {  	[sflag:s18] =	ssyncset.done $0x0  }
0x25: {  	[sflag:s18] =	ssyncadd.s32 $0xFFFFD880  }
.LBB2_5:
0x26: {  	[dreg:$0xa] =	wrdreg s7  }
0x27: {  	[bflag:$0x0] =	sbarrier.arrive $0xFFFF  }
0x28: {  	s31 =	simm.s32 $0x0;
	s0 =	rddreg [dreg:$0x3]  }
0x29: {  	[tilespmem:s31], [sflag:$0x1] =	stream.linear.gather [hbm4b:s0+s31], $0x100, $0x38;
	[tilespmem:$0x1BD78] =	vst v63  }
0x2a: {  	s6 =	simm.s32 $0x200;
	s21 =	rddreg [dreg:$0x4]  }
0x2b: {  	[tilespmem:s6], [sflag:$0x3] =	stream.linear.gather [hbm4b:s21+s31], $0x2800, $0x38;
	[tilespmem:$0x1BD78] =	vst v63  }
0x2c: {  	s7 =	simm.s32 $0x100;
	s6 =	rddreg [dreg:$0x5]  }
0x2d: {  	[tilespmem:s7], [sflag:$0x2] =	stream.linear.gather [hbm4b:s6+s31], $0x100, $0x38;
	[tilespmem:$0x1BD78] =	vst v63  }
0x2e: {  	s17 =	simm.s32 $0x2A00;
	s8 =	rddreg [dreg:$0x6]  }
0x2f: {  	[tilespmem:s17], [sflag:$0x4] =	stream.linear.gather [hbm4b:s8+s31], $0x2800, $0x38;
	[tilespmem:$0x1BD78] =	vst v63  }
0x30: {  	_ =	swait.ge [sflag:s22], $0x100  }
0x31: {  	[sflag:s22] =	ssyncset.done $0x0  }
0x32: {  	[sflag:s22] =	ssyncadd.s32 $0xFFFFFF00  }
0x33: {  	_ =	swait.ge [sflag:s23], $0x2800  }
0x34: {  	[sflag:s23] =	ssyncset.done $0x0  }
0x35: {  	[sflag:s23] =	ssyncadd.s32 $0xFFFFD800  }
0x36: {  	v5 =	vld [tilespmem:$0x0];
	_ =	sdelay $0x2  }
0x37: {  	v0 =	vld [tilespmem:$0x1FFE0];
	_ =	sdelay $0x1  }
0x38: {  	v1 =	vld [tilespmem:$0x1FFF0];
	v6 =	vshll.u32 v5, $0x1  }
0x39: {  	v5 =	vand.u32 $0x7, v5;
	v6 =	vand.u32 $0xFFFFFFF0, v6  }
0x3a: {  	v5 =	vor.u32 v5, v6  }
0x3b: {  	v6 =	vperm.xlane v5, v0;
	_ =	sdelay $0x1  }
0x3c: {  	v5 =	vperm.xlane v5, v1;
	v6 =	vadd.s32 v3, v6;
	_ =	sdelay $0x1  }
0x3d: {  	v5 =	vadd.s32 v3, v5;
	_ =	sdelay $0x1  }
0x3e: {  	s20 =	simm.s32 $0x5200  }
0x3f: {  	[tilespmem:s20], [sflag:$0x5] =	stream.indirect_vreg.gather [hbm4b:s3+s31], $0x80, v6, vm0, $0xb8;
	[tilespmem:$0x1BD78] =	vst v63  }
0x40: {  	s21 =	simm.s32 $0x5A00  }
0x41: {  	[tilespmem:s21], [sflag:$0x5] =	stream.indirect_vreg.gather [hbm4b:s3+s31], $0x80, v5, vm0, $0xb8;
	[tilespmem:$0x1BD78] =	vst v63  }
0x42: {  	v5 =	vld [tilespmem:$0x10];
	_ =	sdelay $0x4  }
0x43: {  	v6 =	vshll.u32 v5, $0x1  }
0x44: {  	v5 =	vand.u32 $0x7, v5;
	v6 =	vand.u32 $0xFFFFFFF0, v6  }
0x45: {  	v5 =	vor.u32 v5, v6  }
0x46: {  	v6 =	vperm.xlane v5, v0;
	_ =	sdelay $0x1  }
0x47: {  	v5 =	vperm.xlane v5, v1;
	v6 =	vadd.s32 v3, v6;
	_ =	sdelay $0x1  }
0x48: {  	v5 =	vadd.s32 v3, v5;
	_ =	sdelay $0x1  }
0x49: {  	s6 =	simm.s32 $0x6200  }
0x4a: {  	[tilespmem:s6], [sflag:$0x5] =	stream.indirect_vreg.gather [hbm4b:s3+s31], $0x80, v6, vm0, $0xb8;
	[tilespmem:$0x1BD78] =	vst v63  }
0x4b: {  	s7 =	simm.s32 $0x6A00  }
0x4c: {  	[tilespmem:s7], [sflag:$0x5] =	stream.indirect_vreg.gather [hbm4b:s3+s31], $0x80, v5, vm0, $0xb8;
	[tilespmem:$0x1BD78] =	vst v63  }
0x4d: {  	v5 =	vld [tilespmem:$0x20];
	_ =	sdelay $0x4  }
0x4e: {  	v6 =	vshll.u32 v5, $0x1  }
0x4f: {  	v5 =	vand.u32 $0x7, v5;
	v6 =	vand.u32 $0xFFFFFFF0, v6  }
0x50: {  	v5 =	vor.u32 v5, v6  }
0x51: {  	v6 =	vperm.xlane v5, v0;
	_ =	sdelay $0x1  }
0x52: {  	v5 =	vperm.xlane v5, v1;
	v6 =	vadd.s32 v3, v6;
	_ =	sdelay $0x1  }
0x53: {  	v5 =	vadd.s32 v3, v5;
	_ =	sdelay $0x1  }
0x54: {  	s8 =	simm.s32 $0x7200  }
0x55: {  	[tilespmem:s8], [sflag:$0x5] =	stream.indirect_vreg.gather [hbm4b:s3+s31], $0x80, v6, vm0, $0xb8;
	[tilespmem:$0x1BD78] =	vst v63  }
0x56: {  	s17 =	simm.s32 $0x7A00  }
0x57: {  	[tilespmem:s17], [sflag:$0x5] =	stream.indirect_vreg.gather [hbm4b:s3+s31], $0x80, v5, vm0, $0xb8;
	[tilespmem:$0x1BD78] =	vst v63  }
0x58: {  	v5 =	vld [tilespmem:$0x30];
	_ =	sdelay $0x4  }
0x59: {  	v6 =	vshll.u32 v5, $0x1  }
0x5a: {  	v5 =	vand.u32 $0x7, v5;
	v6 =	vand.u32 $0xFFFFFFF0, v6  }
0x5b: {  	v5 =	vor.u32 v5, v6  }
0x5c: {  	v6 =	vperm.xlane v5, v0;
	_ =	sdelay $0x1  }
0x5d: {  	v5 =	vperm.xlane v5, v1;
	v6 =	vadd.s32 v3, v6;
	_ =	sdelay $0x1  }
0x5e: {  	v5 =	vadd.s32 v3, v5;
	_ =	sdelay $0x1  }
0x5f: {  	s20 =	simm.s32 $0x8200  }
0x60: {  	[tilespmem:s20], [sflag:$0x5] =	stream.indirect_vreg.gather [hbm4b:s3+s31], $0x80, v6, vm0, $0xb8;
	[tilespmem:$0x1BD78] =	vst v63  }
0x61: {  	s21 =	simm.s32 $0x8A00  }
0x62: {  	[tilespmem:s21], [sflag:$0x5] =	stream.indirect_vreg.gather [hbm4b:s3+s31], $0x80, v5, vm0, $0xb8;
	[tilespmem:$0x1BD78] =	vst v63  }
0x63: {  	v5 =	vld [tilespmem:$0x40];
	_ =	sdelay $0x4  }
0x64: {  	v6 =	vshll.u32 v5, $0x1  }
0x65: {  	v5 =	vand.u32 $0x7, v5;
	v6 =	vand.u32 $0xFFFFFFF0, v6  }
0x66: {  	v5 =	vor.u32 v5, v6  }
0x67: {  	v6 =	vperm.xlane v5, v0;
	_ =	sdelay $0x1  }
0x68: {  	v5 =	vperm.xlane v5, v1;
	v6 =	vadd.s32 v3, v6;
	_ =	sdelay $0x1  }
0x69: {  	v5 =	vadd.s32 v3, v5;
	_ =	sdelay $0x1  }
0x6a: {  	s6 =	simm.s32 $0x9200  }
0x6b: {  	[tilespmem:s6], [sflag:$0x5] =	stream.indirect_vreg.gather [hbm4b:s3+s31], $0x80, v6, vm0, $0xb8;
	[tilespmem:$0x1BD78] =	vst v63  }
0x6c: {  	s7 =	simm.s32 $0x9A00  }
0x6d: {  	[tilespmem:s7], [sflag:$0x5] =	stream.indirect_vreg.gather [hbm4b:s3+s31], $0x80, v5, vm0, $0xb8;
	[tilespmem:$0x1BD78] =	vst v63  }
0x6e: {  	v5 =	vld [tilespmem:$0x80];
	_ =	sdelay $0x4  }
0x6f: {  	v6 =	vshll.u32 v5, $0x1  }
0x70: {  	v5 =	vand.u32 $0x7, v5;
	v6 =	vand.u32 $0xFFFFFFF0, v6  }
0x71: {  	v5 =	vor.u32 v5, v6  }
0x72: {  	v6 =	vperm.xlane v5, v0;
	_ =	sdelay $0x1  }
0x73: {  	v5 =	vperm.xlane v5, v1;
	v6 =	vadd.s32 v3, v6;
	_ =	sdelay $0x1  }
0x74: {  	v5 =	vadd.s32 v3, v5;
	_ =	sdelay $0x1  }
0x75: {  	s8 =	simm.s32 $0xF200  }
0x76: {  	[tilespmem:s8], [sflag:$0x7] =	stream.indirect_vreg.gather [hbm4b:s3+s31], $0x80, v6, vm0, $0xb8;
	[tilespmem:$0x1BD78] =	vst v63  }
0x77: {  	s17 =	simm.s32 $0xFA00  }
0x78: {  	[tilespmem:s17], [sflag:$0x7] =	stream.indirect_vreg.gather [hbm4b:s3+s31], $0x80, v5, vm0, $0xb8;
	[tilespmem:$0x1BD78] =	vst v63  }
0x79: {  	v5 =	vld [tilespmem:$0x90];
	_ =	sdelay $0x4  }
0x7a: {  	v6 =	vshll.u32 v5, $0x1  }
0x7b: {  	v5 =	vand.u32 $0x7, v5;
	v6 =	vand.u32 $0xFFFFFFF0, v6  }
0x7c: {  	v5 =	vor.u32 v5, v6  }
0x7d: {  	v6 =	vperm.xlane v5, v0;
	_ =	sdelay $0x1  }
0x7e: {  	v5 =	vperm.xlane v5, v1;
	v6 =	vadd.s32 v3, v6;
	_ =	sdelay $0x1  }
0x7f: {  	v5 =	vadd.s32 v3, v5;
	_ =	sdelay $0x1  }
0x80: {  	s20 =	simm.s32 $0x10200  }
0x81: {  	[tilespmem:s20], [sflag:$0x7] =	stream.indirect_vreg.gather [hbm4b:s3+s31], $0x80, v6, vm0, $0xb8;
	[tilespmem:$0x1BD78] =	vst v63  }
0x82: {  	s21 =	simm.s32 $0x10A00  }
0x83: {  	[tilespmem:s21], [sflag:$0x7] =	stream.indirect_vreg.gather [hbm4b:s3+s31], $0x80, v5, vm0, $0xb8;
	[tilespmem:$0x1BD78] =	vst v63  }
0x84: {  	v5 =	vld [tilespmem:$0xA0];
	_ =	sdelay $0x4  }
0x85: {  	v6 =	vshll.u32 v5, $0x1  }
0x86: {  	v5 =	vand.u32 $0x7, v5;
	v6 =	vand.u32 $0xFFFFFFF0, v6  }
0x87: {  	v5 =	vor.u32 v5, v6  }
0x88: {  	v6 =	vperm.xlane v5, v0;
	_ =	sdelay $0x1  }
0x89: {  	v5 =	vperm.xlane v5, v1;
	v6 =	vadd.s32 v3, v6;
	_ =	sdelay $0x1  }
0x8a: {  	v5 =	vadd.s32 v3, v5;
	_ =	sdelay $0x2  }
0x8b: {  	[tilespmem:s9], [sflag:$0x7] =	stream.indirect_vreg.gather [hbm4b:s3+s31], $0x80, v6, vm0, $0xb8;
	[tilespmem:$0x1BD78] =	vst v63  }
0x8c: {  	_ = 	snop  }
0x8d: {  	[tilespmem:s14], [sflag:$0x7] =	stream.indirect_vreg.gather [hbm4b:s3+s31], $0x80, v5, vm0, $0xb8;
	[tilespmem:$0x1BD78] =	vst v63  }
0x8e: {  	v5 =	vld [tilespmem:$0xB0];
	_ =	sdelay $0x4  }
0x8f: {  	v6 =	vshll.u32 v5, $0x1  }
0x90: {  	v5 =	vand.u32 $0x7, v5;
	v6 =	vand.u32 $0xFFFFFFF0, v6  }
0x91: {  	v5 =	vor.u32 v5, v6  }
0x92: {  	v6 =	vperm.xlane v5, v0;
	_ =	sdelay $0x1  }
0x93: {  	v5 =	vperm.xlane v5, v1;
	v6 =	vadd.s32 v3, v6;
	_ =	sdelay $0x1  }
0x94: {  	v5 =	vadd.s32 v3, v5;
	_ =	sdelay $0x2  }
0x95: {  	[tilespmem:s15], [sflag:$0x7] =	stream.indirect_vreg.gather [hbm4b:s3+s31], $0x80, v6, vm0, $0xb8;
	[tilespmem:$0x1BD78] =	vst v63  }
0x96: {  	_ = 	snop  }
0x97: {  	[tilespmem:s16], [sflag:$0x7] =	stream.indirect_vreg.gather [hbm4b:s3+s31], $0x80, v5, vm0, $0xb8;
	[tilespmem:$0x1BD78] =	vst v63  }
0x98: {  	v5 =	vld [tilespmem:$0xC0];
	_ =	sdelay $0x4  }
0x99: {  	v6 =	vshll.u32 v5, $0x1  }
0x9a: {  	v5 =	vand.u32 $0x7, v5;
	v6 =	vand.u32 $0xFFFFFFF0, v6  }
0x9b: {  	v5 =	vor.u32 v5, v6  }
0x9c: {  	v6 =	vperm.xlane v5, v0;
	_ =	sdelay $0x1  }
0x9d: {  	v5 =	vperm.xlane v5, v1;
	v6 =	vadd.s32 v3, v6;
	_ =	sdelay $0x1  }
0x9e: {  	v5 =	vadd.s32 v3, v5;
	_ =	sdelay $0x2  }
0x9f: {  	[tilespmem:s19], [sflag:$0x7] =	stream.indirect_vreg.gather [hbm4b:s3+s31], $0x80, v6, vm0, $0xb8;
	[tilespmem:$0x1BD78] =	vst v63  }
0xa0: {  	_ = 	snop  }
0xa1: {  	v2 =	vimm.f32 $-Inf;
	[tilespmem:s24], [sflag:$0x7] =	stream.indirect_vreg.gather [hbm4b:s3+s31], $0x80, v5, vm0, $0xb8;
	[tilespmem:$0x1BD78] =	vst v63  }
0xa2: {  	v7 =	vimm.f32 $-Inf;
	v8 =	vimm.f32 $-Inf;
	v9 =	vimm.f32 $-Inf  }
0xa3: {  	v10 =	vimm.f32 $-Inf;
	v11 =	vimm.f32 $-Inf;
	v12 =	vimm.f32 $-Inf;
	[spmem:s1] =	stream.indirect.scatter.add.s32 [tilespmem:s28], [sflag:$0x9], $0x1, s26, s25, $0xb8;
	[tilespmem:$0x1BD78] =	vst v63  }
0xa4: {  	v13 =	vimm.f32 $-Inf;
	v14 =	vimm.f32 $-Inf;
	v15 =	vimm.f32 $-Inf;
	_ =	swait.ge [sflag:s18], $0x50  }
0xa5: {  	v16 =	vimm.f32 $-Inf;
	v17 =	vimm.f32 $-Inf;
	v18 =	vimm.f32 $-Inf;
	[sflag:s18] =	ssyncset.done $0x0  }
0xa6: {  	v19 =	vimm.f32 $-Inf;
	v20 =	vimm.f32 $-Inf;
	v6 =	vimm.f32 $-Inf;
	[sflag:s18] =	ssyncadd.s32 $0xFFFFFFB0  }
.LBB2_6:
0xa7: {  	s0 =	sshll.u32 s31, $0x6  }
0xa8: {  	p1 =	sge.u32 s0, s10  }
.Ltmp2:
0xa9: {  	_ = 	snop;
	(pc) =	sbr.rel @p1 .LBB2_8-.Ltmp2, $1  }
0xaa: {  	_ =	sdelay $0x3  }
0xab: {  	_ =	swait.ge [sflag:s29], $0x100  }
0xac: {  	[sflag:s29] =	ssyncset.done $0x0  }
0xad: {  	[sflag:s29] =	ssyncadd.s32 $0xFFFFFF00  }
0xae: {  	_ =	swait.ge [sflag:s30], $0x2800  }
0xaf: {  	[sflag:s30] =	ssyncset.done $0x0  }
0xb0: {  	[sflag:s30] =	ssyncadd.s32 $0xFFFFD800  }
0xb1: {  	v21 =	vld [tilespmem:$0x100];
	_ =	sdelay $0x2  }
0xb2: {  	v0 =	vld [tilespmem:$0x1FFE0];
	_ =	sdelay $0x1  }
0xb3: {  	v1 =	vld [tilespmem:$0x1FFF0];
	v22 =	vshll.u32 v21, $0x1  }
0xb4: {  	v21 =	vand.u32 $0x7, v21;
	v22 =	vand.u32 $0xFFFFFFF0, v22  }
0xb5: {  	v21 =	vor.u32 v21, v22  }
0xb6: {  	v22 =	vperm.xlane v21, v0;
	_ =	sdelay $0x1  }
0xb7: {  	v21 =	vperm.xlane v21, v1;
	v22 =	vadd.s32 v3, v22;
	_ =	sdelay $0x1  }
0xb8: {  	v21 =	vadd.s32 v3, v21;
	_ =	sdelay $0x1  }
0xb9: {  	s6 =	simm.s32 $0xA200  }
0xba: {  	[tilespmem:s6], [sflag:$0x6] =	stream.indirect_vreg.gather [hbm4b:s3+s2], $0x80, v22, vm0, $0xb8;
	[tilespmem:$0x1BD78] =	vst v63  }
0xbb: {  	s7 =	simm.s32 $0xAA00  }
0xbc: {  	[tilespmem:s7], [sflag:$0x6] =	stream.indirect_vreg.gather [hbm4b:s3+s2], $0x80, v21, vm0, $0xb8;
	[tilespmem:$0x1BD78] =	vst v63  }
0xbd: {  	v21 =	vld [tilespmem:$0x110];
	_ =	sdelay $0x4  }
0xbe: {  	v22 =	vshll.u32 v21, $0x1  }
0xbf: {  	v21 =	vand.u32 $0x7, v21;
	v22 =	vand.u32 $0xFFFFFFF0, v22  }
0xc0: {  	v21 =	vor.u32 v21, v22  }
0xc1: {  	v22 =	vperm.xlane v21, v0;
	_ =	sdelay $0x1  }
0xc2: {  	v21 =	vperm.xlane v21, v1;
	v22 =	vadd.s32 v3, v22;
	_ =	sdelay $0x1  }
0xc3: {  	v21 =	vadd.s32 v3, v21;
	_ =	sdelay $0x1  }
0xc4: {  	s8 =	simm.s32 $0xB200  }
0xc5: {  	[tilespmem:s8], [sflag:$0x6] =	stream.indirect_vreg.gather [hbm4b:s3+s2], $0x80, v22, vm0, $0xb8;
	[tilespmem:$0x1BD78] =	vst v63  }
0xc6: {  	s17 =	simm.s32 $0xBA00  }
0xc7: {  	[tilespmem:s17], [sflag:$0x6] =	stream.indirect_vreg.gather [hbm4b:s3+s2], $0x80, v21, vm0, $0xb8;
	[tilespmem:$0x1BD78] =	vst v63  }
0xc8: {  	v21 =	vld [tilespmem:$0x120];
	_ =	sdelay $0x4  }
0xc9: {  	v22 =	vshll.u32 v21, $0x1  }
0xca: {  	v21 =	vand.u32 $0x7, v21;
	v22 =	vand.u32 $0xFFFFFFF0, v22  }
0xcb: {  	v21 =	vor.u32 v21, v22  }
0xcc: {  	v22 =	vperm.xlane v21, v0;
	_ =	sdelay $0x1  }
0xcd: {  	v21 =	vperm.xlane v21, v1;
	v22 =	vadd.s32 v3, v22;
	_ =	sdelay $0x1  }
0xce: {  	v21 =	vadd.s32 v3, v21;
	_ =	sdelay $0x1  }
0xcf: {  	s20 =	simm.s32 $0xC200  }
0xd0: {  	[tilespmem:s20], [sflag:$0x6] =	stream.indirect_vreg.gather [hbm4b:s3+s2], $0x80, v22, vm0, $0xb8;
	[tilespmem:$0x1BD78] =	vst v63  }
0xd1: {  	s21 =	simm.s32 $0xCA00  }
0xd2: {  	[tilespmem:s21], [sflag:$0x6] =	stream.indirect_vreg.gather [hbm4b:s3+s2], $0x80, v21, vm0, $0xb8;
	[tilespmem:$0x1BD78] =	vst v63  }
0xd3: {  	v21 =	vld [tilespmem:$0x130];
	_ =	sdelay $0x4  }
0xd4: {  	v22 =	vshll.u32 v21, $0x1  }
0xd5: {  	v21 =	vand.u32 $0x7, v21;
	v22 =	vand.u32 $0xFFFFFFF0, v22  }
0xd6: {  	v21 =	vor.u32 v21, v22  }
0xd7: {  	v22 =	vperm.xlane v21, v0;
	_ =	sdelay $0x1  }
0xd8: {  	v21 =	vperm.xlane v21, v1;
	v22 =	vadd.s32 v3, v22;
	_ =	sdelay $0x1  }
0xd9: {  	v21 =	vadd.s32 v3, v21;
	_ =	sdelay $0x1  }
0xda: {  	s7 =	simm.s32 $0xD200  }
0xdb: {  	[tilespmem:s7], [sflag:$0x6] =	stream.indirect_vreg.gather [hbm4b:s3+s2], $0x80, v22, vm0, $0xb8;
	[tilespmem:$0x1BD78] =	vst v63  }
0xdc: {  	s8 =	simm.s32 $0xDA00  }
0xdd: {  	[tilespmem:s8], [sflag:$0x6] =	stream.indirect_vreg.gather [hbm4b:s3+s2], $0x80, v21, vm0, $0xb8;
	[tilespmem:$0x1BD78] =	vst v63  }
0xde: {  	v21 =	vld [tilespmem:$0x140];
	_ =	sdelay $0x4  }
0xdf: {  	v22 =	vshll.u32 v21, $0x1  }
0xe0: {  	v21 =	vand.u32 $0x7, v21;
	v22 =	vand.u32 $0xFFFFFFF0, v22  }
0xe1: {  	v21 =	vor.u32 v21, v22  }
0xe2: {  	v22 =	vperm.xlane v21, v0;
	_ =	sdelay $0x1  }
0xe3: {  	v21 =	vperm.xlane v21, v1;
	v22 =	vadd.s32 v3, v22;
	_ =	sdelay $0x1  }
0xe4: {  	v21 =	vadd.s32 v3, v21;
	_ =	sdelay $0x1  }
0xe5: {  	s17 =	simm.s32 $0xE200  }
0xe6: {  	[tilespmem:s17], [sflag:$0x6] =	stream.indirect_vreg.gather [hbm4b:s3+s2], $0x80, v22, vm0, $0xb8;
	[tilespmem:$0x1BD78] =	vst v63  }
0xe7: {  	s20 =	simm.s32 $0xEA00  }
0xe8: {  	[tilespmem:s20], [sflag:$0x6] =	stream.indirect_vreg.gather [hbm4b:s3+s2], $0x80, v21, vm0, $0xb8;
	[tilespmem:$0x1BD78] =	vst v63  }
0xe9: {  	v21 =	vld [tilespmem:$0x180];
	_ =	sdelay $0x4  }
0xea: {  	v22 =	vshll.u32 v21, $0x1  }
0xeb: {  	v21 =	vand.u32 $0x7, v21;
	v22 =	vand.u32 $0xFFFFFFF0, v22  }
0xec: {  	v21 =	vor.u32 v21, v22  }
0xed: {  	v22 =	vperm.xlane v21, v0;
	_ =	sdelay $0x1  }
0xee: {  	v21 =	vperm.xlane v21, v1;
	v22 =	vadd.s32 v3, v22;
	_ =	sdelay $0x1  }
0xef: {  	v21 =	vadd.s32 v3, v21;
	_ =	sdelay $0x1  }
0xf0: {  	s21 =	simm.s32 $0x14200  }
0xf1: {  	[tilespmem:s21], [sflag:$0x8] =	stream.indirect_vreg.gather [hbm4b:s3+s2], $0x80, v22, vm0, $0xb8;
	[tilespmem:$0x1BD78] =	vst v63  }
0xf2: {  	s7 =	simm.s32 $0x14A00  }
0xf3: {  	[tilespmem:s7], [sflag:$0x8] =	stream.indirect_vreg.gather [hbm4b:s3+s2], $0x80, v21, vm0, $0xb8;
	[tilespmem:$0x1BD78] =	vst v63  }
0xf4: {  	v21 =	vld [tilespmem:$0x190];
	_ =	sdelay $0x4  }
0xf5: {  	v22 =	vshll.u32 v21, $0x1  }
0xf6: {  	v21 =	vand.u32 $0x7, v21;
	v22 =	vand.u32 $0xFFFFFFF0, v22  }
0xf7: {  	v21 =	vor.u32 v21, v22  }
0xf8: {  	v22 =	vperm.xlane v21, v0;
	_ =	sdelay $0x1  }
0xf9: {  	v21 =	vperm.xlane v21, v1;
	v22 =	vadd.s32 v3, v22;
	_ =	sdelay $0x1  }
0xfa: {  	v21 =	vadd.s32 v3, v21;
	_ =	sdelay $0x1  }
0xfb: {  	s8 =	simm.s32 $0x15200  }
0xfc: {  	[tilespmem:s8], [sflag:$0x8] =	stream.indirect_vreg.gather [hbm4b:s3+s2], $0x80, v22, vm0, $0xb8;
	[tilespmem:$0x1BD78] =	vst v63  }
0xfd: {  	s17 =	simm.s32 $0x15A00  }
0xfe: {  	[tilespmem:s17], [sflag:$0x8] =	stream.indirect_vreg.gather [hbm4b:s3+s2], $0x80, v21, vm0, $0xb8;
	[tilespmem:$0x1BD78] =	vst v63  }
0xff: {  	v21 =	vld [tilespmem:$0x1A0];
	_ =	sdelay $0x4  }
0x100: {  	v22 =	vshll.u32 v21, $0x1  }
0x101: {  	v21 =	vand.u32 $0x7, v21;
	v22 =	vand.u32 $0xFFFFFFF0, v22  }
0x102: {  	v21 =	vor.u32 v21, v22  }
0x103: {  	v22 =	vperm.xlane v21, v0;
	_ =	sdelay $0x1  }
0x104: {  	v21 =	vperm.xlane v21, v1;
	v22 =	vadd.s32 v3, v22;
	_ =	sdelay $0x1  }
0x105: {  	v21 =	vadd.s32 v3, v21;
	_ =	sdelay $0x1  }
0x106: {  	s20 =	simm.s32 $0x16200  }
0x107: {  	[tilespmem:s20], [sflag:$0x8] =	stream.indirect_vreg.gather [hbm4b:s3+s2], $0x80, v22, vm0, $0xb8;
	[tilespmem:$0x1BD78] =	vst v63  }
0x108: {  	s21 =	simm.s32 $0x16A00  }
0x109: {  	[tilespmem:s21], [sflag:$0x8] =	stream.indirect_vreg.gather [hbm4b:s3+s2], $0x80, v21, vm0, $0xb8;
	[tilespmem:$0x1BD78] =	vst v63  }
0x10a: {  	v21 =	vld [tilespmem:$0x1B0];
	_ =	sdelay $0x4  }
0x10b: {  	v22 =	vshll.u32 v21, $0x1  }
0x10c: {  	v21 =	vand.u32 $0x7, v21;
	v22 =	vand.u32 $0xFFFFFFF0, v22  }
0x10d: {  	v21 =	vor.u32 v21, v22  }
0x10e: {  	v22 =	vperm.xlane v21, v0;
	_ =	sdelay $0x1  }
0x10f: {  	v21 =	vperm.xlane v21, v1;
	v22 =	vadd.s32 v3, v22;
	_ =	sdelay $0x1  }
0x110: {  	v21 =	vadd.s32 v3, v21;
	_ =	sdelay $0x1  }
0x111: {  	s7 =	simm.s32 $0x17200  }
0x112: {  	[tilespmem:s7], [sflag:$0x8] =	stream.indirect_vreg.gather [hbm4b:s3+s2], $0x80, v22, vm0, $0xb8;
	[tilespmem:$0x1BD78] =	vst v63  }
0x113: {  	s8 =	simm.s32 $0x17A00  }
0x114: {  	[tilespmem:s8], [sflag:$0x8] =	stream.indirect_vreg.gather [hbm4b:s3+s2], $0x80, v21, vm0, $0xb8;
	[tilespmem:$0x1BD78] =	vst v63  }
0x115: {  	v21 =	vld [tilespmem:$0x1C0];
	_ =	sdelay $0x4  }
0x116: {  	v22 =	vshll.u32 v21, $0x1  }
0x117: {  	v21 =	vand.u32 $0x7, v21;
	v22 =	vand.u32 $0xFFFFFFF0, v22  }
0x118: {  	v21 =	vor.u32 v21, v22  }
0x119: {  	v22 =	vperm.xlane v21, v0;
	_ =	sdelay $0x1  }
0x11a: {  	v21 =	vperm.xlane v21, v1;
	v22 =	vadd.s32 v3, v22;
	_ =	sdelay $0x1  }
0x11b: {  	v21 =	vadd.s32 v3, v21;
	_ =	sdelay $0x1  }
0x11c: {  	s17 =	simm.s32 $0x18200  }
0x11d: {  	[tilespmem:s17], [sflag:$0x8] =	stream.indirect_vreg.gather [hbm4b:s3+s2], $0x80, v22, vm0, $0xb8;
	[tilespmem:$0x1BD78] =	vst v63  }
0x11e: {  	s20 =	simm.s32 $0x18A00  }
0x11f: {  	[tilespmem:s20], [sflag:$0x8] =	stream.indirect_vreg.gather [hbm4b:s3+s2], $0x80, v21, vm0, $0xb8;
	[tilespmem:$0x1BD78] =	vst v63  }
0x120: {  	s21 =	simm.s32 $0x180  }
0x121: {  	[spmem:s1] =	stream.indirect.scatter.add.s32 [tilespmem:s28], [sflag:$0x9], $0x1, s21, s25, $0xb8;
	[tilespmem:$0x1BD78] =	vst v63  }
0x122: {  	_ =	swait.ge [sflag:s18], $0x50  }
0x123: {  	[sflag:s18] =	ssyncset.done $0x0  }
0x124: {  	[sflag:s18] =	ssyncadd.s32 $0xFFFFFFB0  }
.LBB2_8:
0x125: {  	p2 =	sge.u32 s0, s11  }
0x126: {  	s6 =	simm.s32 @!p2 $0x5  }
0x127: {  	_ =	swait.ge @!p2 [sflag:s6], $0x5000  }
0x128: {  	[sflag:s6] =	ssyncset.done @!p2 $0x0  }
0x129: {  	[sflag:s6] =	ssyncadd.s32 @!p2 $0xFFFFB000;
	s6 =	simm.s32 @!p2 $0x7  }
0x12a: {  	s7 =	simm.s32 $0x0;
	_ =	swait.ge @!p2 [sflag:s6], $0x5000  }
0x12b: {  	s17 =	sand.u32 $0x7800, s7;
	s7 =	sand.u32 $0x380, s7;
	[sflag:s6] =	ssyncset.done @!p2 $0x0  }
0x12c: {  	s7 =	sor.u32 s7, s17;
	[sflag:s6] =	ssyncadd.s32 @!p2 $0xFFFFB000  }
0x12d: {  	v22 =	vld [tilespmem:s7+$0x5670]  }
0x12e: {  	v23 =	vld [tilespmem:s7+$0xF670]  }
0x12f: {  	s17 =	simm.s32 $0x200;
	v24 =	vld [tilespmem:s7+$0x5200]  }
0x130: {  	v21 =	vld [tilespmem:s17+$0x0]  }
0x131: {  	v25 =	vld [tilespmem:s7+$0xF200]  }
0x132: {  	v26 =	vld [tilespmem:s7+$0x5210]  }
0x133: {  	v27 =	vld [tilespmem:s7+$0xF210]  }
0x134: {  	v28 =	vld [tilespmem:s7+$0x5220]  }
0x135: {  	v29 =	vld [tilespmem:s7+$0xF220]  }
0x136: {  	v30 =	vld [tilespmem:s7+$0x5230]  }
0x137: {  	v31 =	vld [tilespmem:s7+$0xF230]  }
0x138: {  	v32 =	vld [tilespmem:s7+$0x5240]  }
0x139: {  	v33 =	vld [tilespmem:s7+$0xF240]  }
0x13a: {  	v34 =	vld [tilespmem:s7+$0x5250]  }
0x13b: {  	v35 =	vld [tilespmem:s7+$0xF250]  }
0x13c: {  	v36 =	vld [tilespmem:s7+$0x5260]  }
0x13d: {  	v37 =	vld [tilespmem:s7+$0xF260]  }
0x13e: {  	v38 =	vld [tilespmem:s7+$0x5270]  }
0x13f: {  	v39 =	vld [tilespmem:s7+$0xF270]  }
0x140: {  	v40 =	vld [tilespmem:s7+$0x5600]  }
0x141: {  	v41 =	vld [tilespmem:s7+$0xF600]  }
0x142: {  	v42 =	vld [tilespmem:s7+$0x5620]  }
0x143: {  	v43 =	vld [tilespmem:s7+$0xF620];
	v22 =	vadd.f32 v23, v22  }
0x144: {  	v59 =	vld [tilespmem:s7+$0x5630];
	v23 =	vadd.f32 v25, v24;
	v24 =	vadd.f32 v27, v26  }
0x145: {  	v60 =	vld [tilespmem:s7+$0xF630];
	v25 =	vadd.f32 v29, v28;
	v27 =	vadd.f32 v31, v30  }
0x146: {  	v26 =	vld [tilespmem:s7+$0x5610];
	v30 =	vadd.f32 v33, v32;
	v31 =	vadd.f32 v37, v36  }
0x147: {  	v28 =	vld [tilespmem:s7+$0xF610];
	v61 =	vadd.f32 v39, v38;
	v23 =	vmul.f32 v23, v21;
	v24 =	vmul.f32 v24, v21  }
0x148: {  	v62 =	vadd.f32 v41, v40;
	v25 =	vmul.f32 v25, v21;
	v27 =	vmul.f32 v27, v21  }
0x149: {  	v63 =	vadd.f32 v43, v42;
	v29 =	vmax.f32 v20, v23;
	v23 =	vmax.f32 v19, v24  }
0x14a: {  	v24 =	vmax.f32 v18, v25;
	v25 =	vmax.f32 v17, v27;
	v27 =	vadd.f32 v35, v34  }
0x14b: {  	v38 =	vld [tilespmem:s7+$0x5640];
	v45 =	vadd.f32 v60, v59;
	v30 =	vmul.f32 v30, v21;
	v36 =	vmul.f32 v31, v21  }
0x14c: {  	v39 =	vld [tilespmem:s7+$0xF640];
	v35 =	vmul.f32 v62, v21;
	v26 =	vadd.f32 v28, v26;
	v27 =	vmul.f32 v27, v21  }
0x14d: {  	v40 =	vld [tilespmem:s7+$0x5650];
	v22 =	vmul.f32 v22, v21;
	v44 =	vmul.f32 v63, v21;
	v31 =	vmax.f32 v16, v30  }
0x14e: {  	s20 =	simm.s32 $0x100;
	s21 =	simm.s32 $0x80;
	v41 =	vld [tilespmem:s7+$0xF650];
	v37 =	vmovc v10;
	v28 =	vmul.f32 v61, v21;
	v30 =	vmax.f32 v15, v27;
	v27 =	vmul.f32 v26, v21  }
0x14f: {  	s6 =	sand.u32 $0x7800, s20;
	s20 =	sand.u32 $0x380, s21;
	v42 =	vld [tilespmem:s7+$0x5660];
	v33 =	vmovc v6;
	v22 =	vmax.f32 v2, v22;
	v32 =	vmax.f32 v14, v36;
	v34 =	vmovc v7;
	v36 =	vmov v8  }
0x150: {  	s20 =	sor.u32 s20, s6;
	s6 =	simm.s32 $0x200;
	v43 =	vld [tilespmem:s7+$0xF660];
	v28 =	vmax.f32 v13, v28;
	v26 =	vmax.f32 v12, v35;
	v35 =	vmovc v9;
	v27 =	vmax.f32 v11, v27  }
.LBB2_9:
0x151: {  	p2 =	sne.s32 s6, $0x4F00;
	v46 =	vld [tilespmem:s20+$0x5670];
	v37 =	vmax.f32 v37, v44;
	v44 =	vmul.f32 v45, v21;
	v38 =	vadd.f32 v39, v38  }
0x152: {  	v39 =	vld [tilespmem:s20+$0xF670]  }
0x153: {  	s17 =	sadd.s32 $0x80, s17;
	v45 =	vld [tilespmem:s20+$0x5200];
	v35 =	vmax.f32 v35, v44;
	v38 =	vmul.f32 v38, v21;
	v40 =	vadd.f32 v41, v40  }
0x154: {  	v41 =	vld [tilespmem:s17+$0x0]  }
0x155: {  	v44 =	vld [tilespmem:s20+$0xF200];
	v36 =	vmax.f32 v36, v38;
	v38 =	vmul.f32 v40, v21;
	v40 =	vadd.f32 v43, v42  }
0x156: {  	v42 =	vld [tilespmem:s20+$0x5210]  }
0x157: {  	v43 =	vld [tilespmem:s20+$0xF210];
	v39 =	vadd.f32 v39, v46;
	v34 =	vmax.f32 v34, v38;
	v0 =	vmul.f32 v40, v21  }
0x158: {  	v38 =	vld [tilespmem:s20+$0x5220]  }
0x159: {  	v40 =	vld [tilespmem:s20+$0xF220];
	v39 =	vmul.f32 v39, v41;
	v33 =	vmax.f32 v33, v0;
	v21 =	vmov v41  }
0x15a: {  	v41 =	vadd.f32 v44, v45;
	v44 =	vld [tilespmem:s20+$0x5230]  }
0x15b: {  	v45 =	vld [tilespmem:s20+$0xF230];
	v22 =	vmax.f32 v22, v39  }
0x15c: {  	v39 =	vmul.f32 v41, v21;
	v41 =	vadd.f32 v43, v42;
	v42 =	vld [tilespmem:s20+$0x5240]  }
0x15d: {  	v43 =	vld [tilespmem:s20+$0xF240]  }
0x15e: {  	v29 =	vmax.f32 v29, v39;
	v39 =	vmul.f32 v41, v21;
	v38 =	vadd.f32 v40, v38;
	v40 =	vld [tilespmem:s20+$0x5250]  }
0x15f: {  	v41 =	vld [tilespmem:s20+$0xF250]  }
0x160: {  	v23 =	vmax.f32 v23, v39;
	v38 =	vmul.f32 v38, v21;
	v39 =	vadd.f32 v45, v44;
	v44 =	vld [tilespmem:s20+$0x5260]  }
0x161: {  	v45 =	vld [tilespmem:s20+$0xF260]  }
0x162: {  	v24 =	vmax.f32 v24, v38;
	v38 =	vmul.f32 v39, v21;
	v39 =	vadd.f32 v43, v42;
	v42 =	vld [tilespmem:s20+$0x5270]  }
0x163: {  	v43 =	vld [tilespmem:s20+$0xF270]  }
0x164: {  	v25 =	vmax.f32 v25, v38;
	v38 =	vmul.f32 v39, v21;
	v39 =	vadd.f32 v41, v40;
	v40 =	vld [tilespmem:s20+$0x5600]  }
0x165: {  	v41 =	vld [tilespmem:s20+$0xF600]  }
0x166: {  	v31 =	vmax.f32 v31, v38;
	v38 =	vmul.f32 v39, v21;
	v39 =	vadd.f32 v45, v44;
	v44 =	vld [tilespmem:s20+$0x5610]  }
0x167: {  	v45 =	vld [tilespmem:s20+$0xF610]  }
0x168: {  	v30 =	vmax.f32 v30, v38;
	v38 =	vmul.f32 v39, v21;
	v39 =	vadd.f32 v43, v42;
	v42 =	vld [tilespmem:s20+$0x5620]  }
0x169: {  	v43 =	vld [tilespmem:s20+$0xF620]  }
0x16a: {  	v32 =	vmax.f32 v32, v38;
	v38 =	vmul.f32 v39, v21;
	v39 =	vadd.f32 v41, v40;
	v46 =	vld [tilespmem:s20+$0x5630]  }
0x16b: {  	v47 =	vld [tilespmem:s20+$0xF630]  }
0x16c: {  	v28 =	vmax.f32 v28, v38;
	v40 =	vmul.f32 v39, v21;
	v41 =	vadd.f32 v45, v44;
	v38 =	vld [tilespmem:s20+$0x5640]  }
.Ltmp3:
0x16d: {  	v39 =	vld [tilespmem:s20+$0xF640];
	(pc) =	sbr.rel @p2 .LBB2_9-.Ltmp3, $4  }
0x16e: {  	v26 =	vmax.f32 v26, v40;
	v44 =	vmul.f32 v41, v21;
	v42 =	vadd.f32 v43, v42;
	v40 =	vld [tilespmem:s20+$0x5650]  }
0x16f: {  	s21 =	sadd.s32 $0x80, s21;
	v41 =	vld [tilespmem:s20+$0xF650]  }
0x170: {  	s7 =	sand.u32 $0x7800, s6;
	s8 =	sand.u32 $0x380, s21;
	v27 =	vmax.f32 v27, v44;
	v44 =	vmul.f32 v42, v21;
	v45 =	vadd.f32 v47, v46;
	v42 =	vld [tilespmem:s20+$0x5660]  }
0x171: {  	s6 =	sadd.s32 $0x100, s6;
	v43 =	vld [tilespmem:s20+$0xF660];
	s20 =	sor.u32 s8, s7  }
0x172: {  	v46 =	vld [tilespmem:s20+$0x5670]  }
0x173: {  	v47 =	vld [tilespmem:s20+$0xF670]  }
0x174: {  	v48 =	vld [tilespmem:s20+$0x5200]  }
0x175: {  	v50 =	vld [tilespmem:s20+$0xF200]  }
0x176: {  	v51 =	vld [tilespmem:s20+$0x5210]  }
0x177: {  	v52 =	vld [tilespmem:s20+$0xF210]  }
0x178: {  	v53 =	vld [tilespmem:s20+$0x5220]  }
0x179: {  	v54 =	vld [tilespmem:s20+$0xF220]  }
0x17a: {  	v55 =	vld [tilespmem:s20+$0x5230]  }
0x17b: {  	v56 =	vld [tilespmem:s20+$0xF230]  }
0x17c: {  	v57 =	vld [tilespmem:s20+$0x5240]  }
0x17d: {  	v58 =	vld [tilespmem:s20+$0xF240]  }
0x17e: {  	v59 =	vld [tilespmem:s20+$0x5250]  }
0x17f: {  	v60 =	vld [tilespmem:s20+$0xF250]  }
0x180: {  	v61 =	vld [tilespmem:s20+$0x5260]  }
0x181: {  	v62 =	vld [tilespmem:s20+$0xF260]  }
0x182: {  	v63 =	vld [tilespmem:s20+$0x5270]  }
0x183: {  	v0 =	vld [tilespmem:s20+$0xF270]  }
0x184: {  	v1 =	vld [tilespmem:s20+$0x5600]  }
0x185: {  	v5 =	vld [tilespmem:s20+$0xF600]  }
0x186: {  	s6 =	sadd.s32 $0x80, s17;
	v38 =	vadd.f32 v39, v38;
	v39 =	vld [tilespmem:s20+$0x5610]  }
0x187: {  	v49 =	vld [tilespmem:s6+$0x0];
	v40 =	vadd.f32 v41, v40  }
0x188: {  	v38 =	vmul.f32 v38, v21;
	v41 =	vadd.f32 v43, v42;
	v42 =	vld [tilespmem:s20+$0xF610];
	v43 =	vmax.f32 v37, v44  }
0x189: {  	v37 =	vmul.f32 v45, v21;
	v44 =	vld [tilespmem:s20+$0x5620];
	v45 =	vadd.f32 v47, v46;
	v48 =	vadd.f32 v50, v48  }
0x18a: {  	v36 =	vmax.f32 v36, v38;
	v38 =	vld [tilespmem:s20+$0x5630];
	v52 =	vadd.f32 v52, v51;
	v54 =	vadd.f32 v54, v53  }
0x18b: {  	v47 =	vld [tilespmem:s20+$0x5640];
	v56 =	vadd.f32 v56, v55;
	v57 =	vadd.f32 v58, v57  }
0x18c: {  	v40 =	vmul.f32 v40, v21;
	v46 =	vld [tilespmem:s20+$0x5650];
	v60 =	vadd.f32 v60, v59;
	v0 =	vadd.f32 v0, v63  }
0x18d: {  	v59 =	vld [tilespmem:s20+$0xF660];
	v1 =	vadd.f32 v5, v1;
	v21 =	vmul.f32 v41, v21;
	v50 =	vmul.f32 v45, v49  }
0x18e: {  	v41 =	vld [tilespmem:s20+$0xF620];
	v35 =	vmax.f32 v35, v37;
	v37 =	vmul.f32 v48, v49;
	v58 =	vmul.f32 v54, v49  }
0x18f: {  	v40 =	vmax.f32 v34, v40;
	v45 =	vld [tilespmem:s20+$0xF630];
	v34 =	vmul.f32 v56, v49;
	v48 =	vmul.f32 v57, v49  }
0x190: {  	v56 =	vld [tilespmem:s20+$0xF650];
	v57 =	vadd.f32 v62, v61;
	v21 =	vmax.f32 v33, v21;
	v33 =	vmul.f32 v52, v49  }
0x191: {  	v0 =	vmul.f32 v0, v49;
	v1 =	vmul.f32 v1, v49;
	v22 =	vmax.f32 v22, v50;
	v50 =	vld [tilespmem:s20+$0xF640]  }
0x192: {  	v24 =	vmax.f32 v24, v58;
	v58 =	vld [tilespmem:s20+$0x5660];
	v5 =	vmul.f32 v57, v49;
	v23 =	vmax.f32 v23, v33  }
0x193: {  	v33 =	vmax.f32 v25, v34;
	v25 =	vmax.f32 v31, v48;
	v31 =	vmul.f32 v60, v49  }
0x194: {  	v29 =	vmax.f32 v29, v37;
	v28 =	vmax.f32 v28, v0;
	v60 =	vadd.f32 v42, v39  }
0x195: {  	s6 =	sadd.s32 s12, s0;
	v61 =	vadd.f32 v41, v44;
	v30 =	vmax.f32 v30, v31;
	v31 =	vmax.f32 v32, v5  }
0x196: {  	p2 =	sgt.u32 s6, $0x7CF;
	v5 =	vadd.f32 v45, v38;
	v63 =	vadd.f32 v56, v46;
	v37 =	vmul.f32 v60, v49  }
.Ltmp4:
0x197: {  	v39 =	vmul.f32 v61, v49;
	v62 =	vadd.f32 v50, v47;
	v34 =	vadd.f32 v59, v58;
	(pc) =	sbr.rel @p2 .LBB2_12-.Ltmp4, $4  }
0x198: {  	v32 =	vmax.f32 v26, v1;
	v0 =	vmul.f32 v5, v49;
	v1 =	vmul.f32 v63, v49  }
0x199: {  	v5 =	vmul.f32 v62, v49;
	v26 =	vmul.f32 v34, v49  }
0x19a: {  	v37 =	vmax.f32 v27, v37;
	v27 =	vmax.f32 v43, v39;
	v34 =	vmax.f32 v35, v0  }
0x19b: {  	v35 =	vmax.f32 v40, v1;
	v36 =	vmax.f32 v36, v5;
	v26 =	vmax.f32 v21, v26  }
0x19c: {  	s7 =	sshll.u32 s6, $0x5  }
0x19d: {  	s20 =	smul.u32 $0x500, s6;
	s7 =	sadd.s32 s4, s7  }
0x19e: {  	[tilespmem:s2], [sflag:$0x1] =	stream.linear.gather [hbm4b:s7+s2], $0x100, $0x38;
	[tilespmem:$0x1BD78] =	vst v63  }
0x19f: {  	s21 =	simm.s32 $0x200;
	s6 =	sadd.s32 s5, s20  }
0x1a0: {  	[tilespmem:s21], [sflag:$0x3] =	stream.linear.gather [hbm4b:s6+s2], $0x2800, $0x38;
	[tilespmem:$0x1BD78] =	vst v63  }
0x1a1: {  	_ =	swait.ge [sflag:s22], $0x100  }
0x1a2: {  	[sflag:s22] =	ssyncset.done $0x0  }
0x1a3: {  	[sflag:s22] =	ssyncadd.s32 $0xFFFFFF00  }
0x1a4: {  	_ =	swait.ge [sflag:s23], $0x2800  }
0x1a5: {  	[sflag:s23] =	ssyncset.done $0x0  }
0x1a6: {  	[sflag:s23] =	ssyncadd.s32 $0xFFFFD800  }
0x1a7: {  	v0 =	vld [tilespmem:$0x0];
	_ =	sdelay $0x2  }
0x1a8: {  	v5 =	vmov v2;
	v2 =	vld [tilespmem:$0x1FFE0];
	_ =	sdelay $0x1  }
0x1a9: {  	v4 =	vld [tilespmem:$0x1FFF0];
	v1 =	vshll.u32 v0, $0x1  }
0x1aa: {  	v0 =	vand.u32 $0x7, v0;
	v1 =	vand.u32 $0xFFFFFFF0, v1  }
0x1ab: {  	v0 =	vor.u32 v0, v1  }
0x1ac: {  	v1 =	vperm.xlane v0, v2;
	_ =	sdelay $0x1  }
0x1ad: {  	v0 =	vperm.xlane v0, v4;
	v1 =	vadd.s32 v3, v1;
	_ =	sdelay $0x1  }
0x1ae: {  	v0 =	vadd.s32 v3, v0;
	_ =	sdelay $0x1  }
0x1af: {  	s8 =	simm.s32 $0x5200  }
0x1b0: {  	[tilespmem:s8], [sflag:$0x5] =	stream.indirect_vreg.gather [hbm4b:s3+s2], $0x80, v1, vm0, $0xb8;
	[tilespmem:$0x1BD78] =	vst v63  }
0x1b1: {  	s17 =	simm.s32 $0x5A00  }
0x1b2: {  	[tilespmem:s17], [sflag:$0x5] =	stream.indirect_vreg.gather [hbm4b:s3+s2], $0x80, v0, vm0, $0xb8;
	[tilespmem:$0x1BD78] =	vst v63  }
0x1b3: {  	v0 =	vld [tilespmem:$0x10];
	_ =	sdelay $0x4  }
0x1b4: {  	v1 =	vshll.u32 v0, $0x1  }
0x1b5: {  	v0 =	vand.u32 $0x7, v0;
	v1 =	vand.u32 $0xFFFFFFF0, v1  }
0x1b6: {  	v0 =	vor.u32 v0, v1  }
0x1b7: {  	v1 =	vperm.xlane v0, v2;
	_ =	sdelay $0x1  }
0x1b8: {  	v0 =	vperm.xlane v0, v4;
	v1 =	vadd.s32 v3, v1;
	_ =	sdelay $0x1  }
0x1b9: {  	v0 =	vadd.s32 v3, v0;
	_ =	sdelay $0x1  }
0x1ba: {  	s20 =	simm.s32 $0x6200  }
0x1bb: {  	[tilespmem:s20], [sflag:$0x5] =	stream.indirect_vreg.gather [hbm4b:s3+s2], $0x80, v1, vm0, $0xb8;
	[tilespmem:$0x1BD78] =	vst v63  }
0x1bc: {  	s21 =	simm.s32 $0x6A00  }
0x1bd: {  	[tilespmem:s21], [sflag:$0x5] =	stream.indirect_vreg.gather [hbm4b:s3+s2], $0x80, v0, vm0, $0xb8;
	[tilespmem:$0x1BD78] =	vst v63  }
0x1be: {  	v0 =	vld [tilespmem:$0x20];
	_ =	sdelay $0x4  }
0x1bf: {  	v1 =	vshll.u32 v0, $0x1  }
0x1c0: {  	v0 =	vand.u32 $0x7, v0;
	v1 =	vand.u32 $0xFFFFFFF0, v1  }
0x1c1: {  	v0 =	vor.u32 v0, v1  }
0x1c2: {  	v1 =	vperm.xlane v0, v2;
	_ =	sdelay $0x1  }
0x1c3: {  	v0 =	vperm.xlane v0, v4;
	v1 =	vadd.s32 v3, v1;
	_ =	sdelay $0x1  }
0x1c4: {  	v0 =	vadd.s32 v3, v0;
	_ =	sdelay $0x1  }
0x1c5: {  	s7 =	simm.s32 $0x7200  }
0x1c6: {  	[tilespmem:s7], [sflag:$0x5] =	stream.indirect_vreg.gather [hbm4b:s3+s2], $0x80, v1, vm0, $0xb8;
	[tilespmem:$0x1BD78] =	vst v63  }
0x1c7: {  	s8 =	simm.s32 $0x7A00  }
0x1c8: {  	[tilespmem:s8], [sflag:$0x5] =	stream.indirect_vreg.gather [hbm4b:s3+s2], $0x80, v0, vm0, $0xb8;
	[tilespmem:$0x1BD78] =	vst v63  }
0x1c9: {  	v0 =	vld [tilespmem:$0x30];
	_ =	sdelay $0x4  }
0x1ca: {  	v1 =	vshll.u32 v0, $0x1  }
0x1cb: {  	v0 =	vand.u32 $0x7, v0;
	v1 =	vand.u32 $0xFFFFFFF0, v1  }
0x1cc: {  	v0 =	vor.u32 v0, v1  }
0x1cd: {  	v1 =	vperm.xlane v0, v2;
	_ =	sdelay $0x1  }
0x1ce: {  	v0 =	vperm.xlane v0, v4;
	v1 =	vadd.s32 v3, v1;
	_ =	sdelay $0x1  }
0x1cf: {  	v0 =	vadd.s32 v3, v0;
	_ =	sdelay $0x1  }
0x1d0: {  	s17 =	simm.s32 $0x8200  }
0x1d1: {  	[tilespmem:s17], [sflag:$0x5] =	stream.indirect_vreg.gather [hbm4b:s3+s2], $0x80, v1, vm0, $0xb8;
	[tilespmem:$0x1BD78] =	vst v63  }
0x1d2: {  	s20 =	simm.s32 $0x8A00  }
0x1d3: {  	[tilespmem:s20], [sflag:$0x5] =	stream.indirect_vreg.gather [hbm4b:s3+s2], $0x80, v0, vm0, $0xb8;
	[tilespmem:$0x1BD78] =	vst v63  }
0x1d4: {  	v0 =	vld [tilespmem:$0x40];
	_ =	sdelay $0x4  }
0x1d5: {  	v1 =	vshll.u32 v0, $0x1  }
0x1d6: {  	v0 =	vand.u32 $0x7, v0;
	v1 =	vand.u32 $0xFFFFFFF0, v1  }
0x1d7: {  	v0 =	vor.u32 v0, v1  }
0x1d8: {  	v1 =	vperm.xlane v0, v2;
	_ =	sdelay $0x1  }
0x1d9: {  	v0 =	vperm.xlane v0, v4;
	v1 =	vadd.s32 v3, v1;
	_ =	sdelay $0x1  }
0x1da: {  	v0 =	vadd.s32 v3, v0;
	_ =	sdelay $0x1  }
0x1db: {  	s21 =	simm.s32 $0x9200  }
0x1dc: {  	[tilespmem:s21], [sflag:$0x5] =	stream.indirect_vreg.gather [hbm4b:s3+s2], $0x80, v1, vm0, $0xb8;
	[tilespmem:$0x1BD78] =	vst v63  }
0x1dd: {  	s7 =	simm.s32 $0x9A00  }
0x1de: {  	[tilespmem:s7], [sflag:$0x5] =	stream.indirect_vreg.gather [hbm4b:s3+s2], $0x80, v0, vm0, $0xb8;
	[tilespmem:$0x1BD78] =	vst v63  }
0x1df: {  	v0 =	vld [tilespmem:$0x80];
	_ =	sdelay $0x4  }
0x1e0: {  	v1 =	vshll.u32 v0, $0x1  }
0x1e1: {  	v0 =	vand.u32 $0x7, v0;
	v1 =	vand.u32 $0xFFFFFFF0, v1  }
0x1e2: {  	v0 =	vor.u32 v0, v1  }
0x1e3: {  	v1 =	vperm.xlane v0, v2;
	_ =	sdelay $0x1  }
0x1e4: {  	v0 =	vperm.xlane v0, v4;
	v1 =	vadd.s32 v3, v1;
	_ =	sdelay $0x1  }
0x1e5: {  	v0 =	vadd.s32 v3, v0;
	_ =	sdelay $0x1  }
0x1e6: {  	s8 =	simm.s32 $0xF200  }
0x1e7: {  	[tilespmem:s8], [sflag:$0x7] =	stream.indirect_vreg.gather [hbm4b:s3+s2], $0x80, v1, vm0, $0xb8;
	[tilespmem:$0x1BD78] =	vst v63  }
0x1e8: {  	s17 =	simm.s32 $0xFA00  }
0x1e9: {  	[tilespmem:s17], [sflag:$0x7] =	stream.indirect_vreg.gather [hbm4b:s3+s2], $0x80, v0, vm0, $0xb8;
	[tilespmem:$0x1BD78] =	vst v63  }
0x1ea: {  	v0 =	vld [tilespmem:$0x90];
	_ =	sdelay $0x4  }
0x1eb: {  	v1 =	vshll.u32 v0, $0x1  }
0x1ec: {  	v0 =	vand.u32 $0x7, v0;
	v1 =	vand.u32 $0xFFFFFFF0, v1  }
0x1ed: {  	v0 =	vor.u32 v0, v1  }
0x1ee: {  	v1 =	vperm.xlane v0, v2;
	_ =	sdelay $0x1  }
0x1ef: {  	v0 =	vperm.xlane v0, v4;
	v1 =	vadd.s32 v3, v1;
	_ =	sdelay $0x1  }
0x1f0: {  	v0 =	vadd.s32 v3, v0;
	_ =	sdelay $0x1  }
0x1f1: {  	s20 =	simm.s32 $0x10200  }
0x1f2: {  	[tilespmem:s20], [sflag:$0x7] =	stream.indirect_vreg.gather [hbm4b:s3+s2], $0x80, v1, vm0, $0xb8;
	[tilespmem:$0x1BD78] =	vst v63  }
0x1f3: {  	s21 =	simm.s32 $0x10A00  }
0x1f4: {  	[tilespmem:s21], [sflag:$0x7] =	stream.indirect_vreg.gather [hbm4b:s3+s2], $0x80, v0, vm0, $0xb8;
	[tilespmem:$0x1BD78] =	vst v63  }
0x1f5: {  	v0 =	vld [tilespmem:$0xA0];
	_ =	sdelay $0x4  }
0x1f6: {  	v1 =	vshll.u32 v0, $0x1  }
0x1f7: {  	v0 =	vand.u32 $0x7, v0;
	v1 =	vand.u32 $0xFFFFFFF0, v1  }
0x1f8: {  	v0 =	vor.u32 v0, v1  }
0x1f9: {  	v1 =	vperm.xlane v0, v2;
	_ =	sdelay $0x1  }
0x1fa: {  	v0 =	vperm.xlane v0, v4;
	v1 =	vadd.s32 v3, v1;
	_ =	sdelay $0x1  }
0x1fb: {  	v0 =	vadd.s32 v3, v0;
	_ =	sdelay $0x2  }
0x1fc: {  	[tilespmem:s9], [sflag:$0x7] =	stream.indirect_vreg.gather [hbm4b:s3+s2], $0x80, v1, vm0, $0xb8;
	[tilespmem:$0x1BD78] =	vst v63  }
0x1fd: {  	_ = 	snop  }
0x1fe: {  	[tilespmem:s14], [sflag:$0x7] =	stream.indirect_vreg.gather [hbm4b:s3+s2], $0x80, v0, vm0, $0xb8;
	[tilespmem:$0x1BD78] =	vst v63  }
0x1ff: {  	v0 =	vld [tilespmem:$0xB0];
	_ =	sdelay $0x4  }
0x200: {  	v1 =	vshll.u32 v0, $0x1  }
0x201: {  	v0 =	vand.u32 $0x7, v0;
	v1 =	vand.u32 $0xFFFFFFF0, v1  }
0x202: {  	v0 =	vor.u32 v0, v1  }
0x203: {  	v1 =	vperm.xlane v0, v2;
	_ =	sdelay $0x1  }
0x204: {  	v0 =	vperm.xlane v0, v4;
	v1 =	vadd.s32 v3, v1;
	_ =	sdelay $0x1  }
0x205: {  	v0 =	vadd.s32 v3, v0;
	_ =	sdelay $0x2  }
0x206: {  	[tilespmem:s15], [sflag:$0x7] =	stream.indirect_vreg.gather [hbm4b:s3+s2], $0x80, v1, vm0, $0xb8;
	[tilespmem:$0x1BD78] =	vst v63  }
0x207: {  	_ = 	snop  }
0x208: {  	[tilespmem:s16], [sflag:$0x7] =	stream.indirect_vreg.gather [hbm4b:s3+s2], $0x80, v0, vm0, $0xb8;
	[tilespmem:$0x1BD78] =	vst v63  }
0x209: {  	v0 =	vld [tilespmem:$0xC0];
	_ =	sdelay $0x4  }
0x20a: {  	v1 =	vshll.u32 v0, $0x1  }
0x20b: {  	v0 =	vand.u32 $0x7, v0;
	v1 =	vand.u32 $0xFFFFFFF0, v1  }
0x20c: {  	v0 =	vor.u32 v0, v1  }
0x20d: {  	v1 =	vperm.xlane v0, v2;
	_ =	sdelay $0x1  }
0x20e: {  	v0 =	vperm.xlane v0, v4;
	v1 =	vadd.s32 v3, v1;
	_ =	sdelay $0x1  }
0x20f: {  	v0 =	vadd.s32 v3, v0;
	_ =	sdelay $0x2  }
0x210: {  	[tilespmem:s19], [sflag:$0x7] =	stream.indirect_vreg.gather [hbm4b:s3+s2], $0x80, v1, vm0, $0xb8;
	[tilespmem:$0x1BD78] =	vst v63  }
0x211: {  	_ = 	snop  }
0x212: {  	[tilespmem:s24], [sflag:$0x7] =	stream.indirect_vreg.gather [hbm4b:s3+s2], $0x80, v0, vm0, $0xb8;
	[tilespmem:$0x1BD78] =	vst v63  }
0x213: {  	_ = 	snop  }
0x214: {  	[spmem:s1] =	stream.indirect.scatter.add.s32 [tilespmem:s28], [sflag:$0x9], $0x1, s26, s25, $0xb8;
	[tilespmem:$0x1BD78] =	vst v63  }
0x215: {  	_ =	swait.ge [sflag:s18], $0x50  }
0x216: {  	[sflag:s18] =	ssyncset.done $0x0  }
0x217: {  	v2 =	vmov v5;
	[sflag:s18] =	ssyncadd.s32 $0xFFFFFFB0  }
.LBB2_12:
0x218: {  	s6 =	simm.s32 @!p1 $0x6  }
0x219: {  	_ =	swait.ge @!p1 [sflag:s6], $0x5000  }
0x21a: {  	[sflag:s6] =	ssyncset.done @!p1 $0x0  }
0x21b: {  	[sflag:s6] =	ssyncadd.s32 @!p1 $0xFFFFB000;
	s6 =	simm.s32 @!p1 $0x8  }
0x21c: {  	s7 =	simm.s32 $0x0;
	_ =	swait.ge @!p1 [sflag:s6], $0x5000  }
0x21d: {  	s8 =	sand.u32 $0x7800, s7;
	s7 =	sand.u32 $0x380, s7;
	[sflag:s6] =	ssyncset.done @!p1 $0x0  }
0x21e: {  	s7 =	sor.u32 s7, s8;
	[sflag:s6] =	ssyncadd.s32 @!p1 $0xFFFFB000  }
0x21f: {  	v0 =	vld [tilespmem:s7+$0xA670]  }
0x220: {  	v1 =	vld [tilespmem:s7+$0x14670]  }
0x221: {  	s17 =	simm.s32 $0x2A00;
	v5 =	vld [tilespmem:s7+$0xA200]  }
0x222: {  	v21 =	vld [tilespmem:s17+$0x0]  }
0x223: {  	v38 =	vld [tilespmem:s7+$0x14200]  }
0x224: {  	v39 =	vld [tilespmem:s7+$0xA210]  }
0x225: {  	v40 =	vld [tilespmem:s7+$0x14210]  }
0x226: {  	v41 =	vld [tilespmem:s7+$0xA220]  }
0x227: {  	v42 =	vld [tilespmem:s7+$0x14220]  }
0x228: {  	v43 =	vld [tilespmem:s7+$0xA230]  }
0x229: {  	v44 =	vld [tilespmem:s7+$0x14230]  }
0x22a: {  	v45 =	vld [tilespmem:s7+$0xA240]  }
0x22b: {  	v46 =	vld [tilespmem:s7+$0x14240]  }
0x22c: {  	v47 =	vld [tilespmem:s7+$0xA250]  }
0x22d: {  	v48 =	vld [tilespmem:s7+$0x14250]  }
0x22e: {  	p6 =	slt.u32 s0, s11;
	v49 =	vld [tilespmem:s7+$0xA260]  }
0x22f: {  	v18 =	vpsel p6, v24, v18;
	v24 =	vld [tilespmem:s7+$0x14260]  }
0x230: {  	v16 =	vpsel p6, v25, v16;
	v25 =	vld [tilespmem:s7+$0xA270]  }
0x231: {  	v20 =	vpsel p6, v29, v20;
	v15 =	vpsel p6, v30, v15;
	v30 =	vld [tilespmem:s7+$0x14270]  }
0x232: {  	v19 =	vpsel p6, v23, v19;
	v17 =	vpsel p6, v33, v17;
	v10 =	vpsel p6, v27, v10;
	v27 =	vld [tilespmem:s7+$0xA600]  }
0x233: {  	v14 =	vpsel p6, v31, v14;
	v13 =	vpsel p6, v28, v13;
	v12 =	vpsel p6, v32, v12;
	v31 =	vld [tilespmem:s7+$0x14600]  }
0x234: {  	v11 =	vpsel p6, v37, v11;
	v9 =	vpsel p6, v34, v9;
	v56 =	vld [tilespmem:s7+$0xA610];
	v0 =	vadd.f32 v1, v0  }
0x235: {  	v8 =	vpsel p6, v36, v8;
	v58 =	vld [tilespmem:s7+$0x14610];
	v1 =	vadd.f32 v38, v5;
	v23 =	vadd.f32 v40, v39  }
0x236: {  	v6 =	vpsel p6, v26, v6;
	v59 =	vld [tilespmem:s7+$0xA620];
	v26 =	vadd.f32 v42, v41;
	v57 =	vadd.f32 v44, v43  }
0x237: {  	v61 =	vld [tilespmem:s7+$0xA630];
	v5 =	vpsel p6, v22, v2;
	v0 =	vmul.f32 v0, v21;
	v1 =	vmul.f32 v1, v21  }
0x238: {  	v62 =	vld [tilespmem:s7+$0x14630];
	v60 =	vadd.f32 v46, v45;
	v22 =	vmul.f32 v23, v21;
	v23 =	vmul.f32 v26, v21  }
0x239: {  	v29 =	vmax.f32 v5, v0;
	v28 =	vmax.f32 v20, v1;
	v0 =	vmul.f32 v57, v21;
	v1 =	vld [tilespmem:s7+$0x14620]  }
0x23a: {  	v24 =	vadd.f32 v24, v49;
	v25 =	vadd.f32 v30, v25;
	v26 =	vmax.f32 v19, v22  }
0x23b: {  	v22 =	vmax.f32 v18, v23;
	v23 =	vmax.f32 v17, v0;
	v0 =	vadd.f32 v48, v47  }
0x23c: {  	v7 =	vpsel p6, v35, v7;
	v30 =	vadd.f32 v31, v27;
	v38 =	vld [tilespmem:s7+$0xA640];
	v31 =	vadd.f32 v58, v56  }
0x23d: {  	v37 =	vmovc v10;
	v39 =	vld [tilespmem:s7+$0x14640];
	v45 =	vadd.f32 v62, v61;
	v33 =	vmul.f32 v60, v21;
	v0 =	vmul.f32 v0, v21  }
0x23e: {  	v36 =	vmovc v9;
	v40 =	vld [tilespmem:s7+$0xA650];
	v24 =	vmul.f32 v24, v21;
	v25 =	vmul.f32 v25, v21;
	v1 =	vadd.f32 v1, v59  }
0x23f: {  	s21 =	simm.s32 $0x80;
	s8 =	simm.s32 $0x100;
	v34 =	vmovc v8;
	v41 =	vld [tilespmem:s7+$0x14650];
	v63 =	vmul.f32 v30, v21;
	v30 =	vmax.f32 v15, v0;
	v0 =	vmul.f32 v31, v21  }
0x240: {  	s20 =	sand.u32 $0x380, s21;
	v35 =	vmovc v7;
	s6 =	sand.u32 $0x7800, s8;
	v42 =	vld [tilespmem:s7+$0xA660];
	v27 =	vmax.f32 v16, v33;
	v32 =	vmax.f32 v14, v24;
	v44 =	vmul.f32 v1, v21  }
0x241: {  	s20 =	sor.u32 s20, s6;
	s6 =	simm.s32 $0x200;
	v43 =	vld [tilespmem:s7+$0x14660];
	v24 =	vmax.f32 v12, v63;
	v33 =	vmovc v6;
	v31 =	vmax.f32 v13, v25;
	v25 =	vmax.f32 v11, v0  }
.LBB2_13:
0x242: {  	p1 =	sne.s32 s6, $0x4F00;
	v0 =	vld [tilespmem:s20+$0xA670];
	v37 =	vmax.f32 v37, v44;
	v1 =	vmul.f32 v45, v21;
	v38 =	vadd.f32 v39, v38  }
0x243: {  	v39 =	vld [tilespmem:s20+$0x14670]  }
0x244: {  	s17 =	sadd.s32 $0x80, s17;
	v44 =	vld [tilespmem:s20+$0xA200];
	v36 =	vmax.f32 v36, v1;
	v1 =	vmul.f32 v38, v21;
	v38 =	vadd.f32 v41, v40  }
0x245: {  	v40 =	vld [tilespmem:s17+$0x0]  }
0x246: {  	v41 =	vld [tilespmem:s20+$0x14200];
	v34 =	vmax.f32 v34, v1;
	v1 =	vmul.f32 v38, v21;
	v38 =	vadd.f32 v43, v42  }
0x247: {  	v42 =	vld [tilespmem:s20+$0xA210]  }
0x248: {  	v43 =	vld [tilespmem:s20+$0x14210];
	v0 =	vadd.f32 v39, v0;
	v35 =	vmax.f32 v35, v1;
	v1 =	vmul.f32 v38, v21  }
0x249: {  	v38 =	vld [tilespmem:s20+$0xA220]  }
0x24a: {  	v39 =	vld [tilespmem:s20+$0x14220];
	v0 =	vmul.f32 v0, v40;
	v33 =	vmax.f32 v33, v1;
	v21 =	vmov v40  }
0x24b: {  	v1 =	vadd.f32 v41, v44;
	v40 =	vld [tilespmem:s20+$0xA230]  }
0x24c: {  	v41 =	vld [tilespmem:s20+$0x14230];
	v29 =	vmax.f32 v29, v0  }
0x24d: {  	v0 =	vmul.f32 v1, v21;
	v1 =	vadd.f32 v43, v42;
	v42 =	vld [tilespmem:s20+$0xA240]  }
0x24e: {  	v43 =	vld [tilespmem:s20+$0x14240]  }
0x24f: {  	v28 =	vmax.f32 v28, v0;
	v0 =	vmul.f32 v1, v21;
	v1 =	vadd.f32 v39, v38;
	v38 =	vld [tilespmem:s20+$0xA250]  }
0x250: {  	v39 =	vld [tilespmem:s20+$0x14250]  }
0x251: {  	v26 =	vmax.f32 v26, v0;
	v0 =	vmul.f32 v1, v21;
	v1 =	vadd.f32 v41, v40;
	v40 =	vld [tilespmem:s20+$0xA260]  }
0x252: {  	v41 =	vld [tilespmem:s20+$0x14260]  }
0x253: {  	v22 =	vmax.f32 v22, v0;
	v0 =	vmul.f32 v1, v21;
	v1 =	vadd.f32 v43, v42;
	v42 =	vld [tilespmem:s20+$0xA270]  }
0x254: {  	v43 =	vld [tilespmem:s20+$0x14270]  }
0x255: {  	v23 =	vmax.f32 v23, v0;
	v0 =	vmul.f32 v1, v21;
	v1 =	vadd.f32 v39, v38;
	v38 =	vld [tilespmem:s20+$0xA600]  }
0x256: {  	v39 =	vld [tilespmem:s20+$0x14600]  }
0x257: {  	v27 =	vmax.f32 v27, v0;
	v0 =	vmul.f32 v1, v21;
	v1 =	vadd.f32 v41, v40;
	v40 =	vld [tilespmem:s20+$0xA610]  }
0x258: {  	v41 =	vld [tilespmem:s20+$0x14610]  }
0x259: {  	v30 =	vmax.f32 v30, v0;
	v0 =	vmul.f32 v1, v21;
	v1 =	vadd.f32 v43, v42;
	v42 =	vld [tilespmem:s20+$0xA620]  }
0x25a: {  	v43 =	vld [tilespmem:s20+$0x14620]  }
0x25b: {  	v32 =	vmax.f32 v32, v0;
	v0 =	vmul.f32 v1, v21;
	v1 =	vadd.f32 v39, v38;
	v45 =	vld [tilespmem:s20+$0xA630]  }
0x25c: {  	v46 =	vld [tilespmem:s20+$0x14630]  }
0x25d: {  	v31 =	vmax.f32 v31, v0;
	v0 =	vmul.f32 v1, v21;
	v1 =	vadd.f32 v41, v40;
	v38 =	vld [tilespmem:s20+$0xA640]  }
.Ltmp5:
0x25e: {  	v39 =	vld [tilespmem:s20+$0x14640];
	(pc) =	sbr.rel @p1 .LBB2_13-.Ltmp5, $4  }
0x25f: {  	v24 =	vmax.f32 v24, v0;
	v0 =	vmul.f32 v1, v21;
	v1 =	vadd.f32 v43, v42;
	v40 =	vld [tilespmem:s20+$0xA650]  }
0x260: {  	s21 =	sadd.s32 $0x80, s21;
	v41 =	vld [tilespmem:s20+$0x14650]  }
0x261: {  	s7 =	sand.u32 $0x7800, s6;
	s8 =	sand.u32 $0x380, s21;
	v25 =	vmax.f32 v25, v0;
	v44 =	vmul.f32 v1, v21;
	v45 =	vadd.f32 v46, v45;
	v42 =	vld [tilespmem:s20+$0xA660]  }
0x262: {  	s6 =	sadd.s32 $0x100, s6;
	v43 =	vld [tilespmem:s20+$0x14660];
	s20 =	sor.u32 s8, s7  }
0x263: {  	v0 =	vld [tilespmem:s20+$0xA670]  }
0x264: {  	v1 =	vld [tilespmem:s20+$0x14670]  }
0x265: {  	v46 =	vld [tilespmem:s20+$0xA200]  }
0x266: {  	v48 =	vld [tilespmem:s20+$0x14200]  }
0x267: {  	v49 =	vld [tilespmem:s20+$0xA210]  }
0x268: {  	v50 =	vld [tilespmem:s20+$0x14210]  }
0x269: {  	v51 =	vld [tilespmem:s20+$0xA220]  }
0x26a: {  	v52 =	vld [tilespmem:s20+$0x14220]  }
0x26b: {  	v53 =	vld [tilespmem:s20+$0xA230]  }
0x26c: {  	v54 =	vld [tilespmem:s20+$0x14230]  }
0x26d: {  	v55 =	vld [tilespmem:s20+$0xA240]  }
0x26e: {  	v56 =	vld [tilespmem:s20+$0x14240]  }
0x26f: {  	v57 =	vld [tilespmem:s20+$0xA250]  }
0x270: {  	v58 =	vld [tilespmem:s20+$0x14250]  }
0x271: {  	v59 =	vld [tilespmem:s20+$0xA260]  }
0x272: {  	v60 =	vld [tilespmem:s20+$0x14260]  }
0x273: {  	v61 =	vld [tilespmem:s20+$0xA270]  }
0x274: {  	s6 =	sadd.s32 $0x80, s17;
	v62 =	vld [tilespmem:s20+$0x14270];
	v45 =	vmul.f32 v45, v21  }
0x275: {  	v37 =	vmax.f32 v37, v44;
	v38 =	vadd.f32 v39, v38;
	v47 =	vld [tilespmem:s6+$0x0];
	v44 =	vadd.f32 v41, v40  }
0x276: {  	v63 =	vld [tilespmem:s20+$0xA600];
	v36 =	vmax.f32 v36, v45;
	v45 =	vadd.f32 v43, v42;
	v0 =	vadd.f32 v1, v0  }
0x277: {  	v2 =	vld [tilespmem:s20+$0x14600];
	v38 =	vmul.f32 v38, v21;
	v42 =	vadd.f32 v48, v46;
	v48 =	vadd.f32 v50, v49  }
0x278: {  	v4 =	vld [tilespmem:s20+$0xA610];
	v39 =	vmul.f32 v44, v21;
	v52 =	vadd.f32 v52, v51;
	v54 =	vadd.f32 v54, v53  }
0x279: {  	v40 =	vld [tilespmem:s20+$0x14610];
	v34 =	vmax.f32 v34, v38;
	v56 =	vadd.f32 v56, v55;
	v57 =	vadd.f32 v58, v57  }
0x27a: {  	v43 =	vld [tilespmem:s20+$0x14620];
	v59 =	vadd.f32 v60, v59;
	v21 =	vmul.f32 v45, v21;
	v0 =	vmul.f32 v0, v47  }
0x27b: {  	v44 =	vld [tilespmem:s20+$0xA630];
	v61 =	vadd.f32 v62, v61;
	v49 =	vmul.f32 v42, v47;
	v50 =	vmul.f32 v48, v47  }
0x27c: {  	v1 =	vld [tilespmem:s20+$0xA620];
	v2 =	vadd.f32 v2, v63;
	v38 =	vmul.f32 v52, v47;
	v41 =	vmul.f32 v54, v47  }
0x27d: {  	v58 =	vld [tilespmem:s20+$0xA650];
	v35 =	vmax.f32 v35, v39;
	v45 =	vmul.f32 v57, v47;
	v53 =	vmul.f32 v59, v47  }
0x27e: {  	v60 =	vld [tilespmem:s20+$0x14650];
	v4 =	vadd.f32 v40, v4;
	v2 =	vmul.f32 v2, v47;
	v21 =	vmax.f32 v33, v21  }
0x27f: {  	v62 =	vld [tilespmem:s20+$0xA660];
	v0 =	vmax.f32 v29, v0;
	v28 =	vmax.f32 v28, v49;
	v26 =	vmax.f32 v26, v50  }
0x280: {  	v39 =	vld [tilespmem:s20+$0x14630];
	v29 =	vmul.f32 v56, v47;
	v22 =	vmax.f32 v22, v38;
	v23 =	vmax.f32 v23, v41  }
0x281: {  	s6 =	sadd.s32 s13, s0;
	v42 =	vld [tilespmem:s20+$0x14640];
	v55 =	vmax.f32 v30, v45;
	v56 =	vmul.f32 v61, v47;
	v32 =	vmax.f32 v32, v53  }
0x282: {  	p1 =	slt.u32 s0, s10;
	p2 =	sgt.u32 s6, $0x7CF;
	v54 =	vld [tilespmem:s20+$0x14660];
	v4 =	vmul.f32 v4, v47;
	v2 =	vmax.f32 v24, v2;
	v1 =	vadd.f32 v43, v1  }
0x283: {  	s7 =	sshll.u32 @!p2 s6, $0x5;
	s8 =	simm.s32 @!p2 $0x100;
	v33 =	vld [tilespmem:s20+$0xA640];
	v58 =	vadd.f32 v60, v58;
	v20 =	vpsel p1, v28, v20;
	v19 =	vpsel p1, v26, v19  }
0x284: {  	s6 =	smul.u32 @!p2 $0x500, s6;
	s0 =	sadd.s32 @!p2 s4, s7;
	s7 =	simm.s32 @!p2 $0x0;
	v18 =	vpsel p1, v22, v18;
	v17 =	vpsel p1, v23, v17;
	v15 =	vpsel p1, v55, v15  }
0x285: {  	[tilespmem:s8], [sflag:$0x2] =	stream.linear.gather @!p2 [hbm4b:s0+s7], $0x100, $0x38;
	v14 =	vpsel p1, v32, v14;
	v12 =	vpsel p1, v2, v12;
	v2 =	vpsel p1, v0, v5;
	[tilespmem:$0x1BD78] =	vst v63  }
0x286: {  	s31 =	sadd.s32 $0x1, s31;
	s0 =	sadd.s32 @!p2 s5, s6;
	s6 =	simm.s32 @!p2 $0x2A00;
	v27 =	vmax.f32 v27, v29;
	v30 =	vmax.f32 v31, v56;
	v57 =	vadd.f32 v39, v44  }
0x287: {  	[tilespmem:s6], [sflag:$0x4] =	stream.linear.gather @!p2 [hbm4b:s0+s7], $0x2800, $0x38;
	v4 =	vmax.f32 v25, v4;
	v1 =	vmul.f32 v1, v47;
	v59 =	vadd.f32 v54, v62;
	[tilespmem:$0x1BD78] =	vst v63  }
0x288: {  	p2 =	sne.s32 s31, $0x20;
	v62 =	vmul.f32 v58, v47;
	v16 =	vpsel p1, v27, v16;
	v33 =	vadd.f32 v42, v33  }
.Ltmp6:
0x289: {  	v13 =	vpsel p1, v30, v13;
	v11 =	vpsel p1, v4, v11;
	v60 =	vmul.f32 v57, v47;
	(pc) =	sbr.rel @p2 .LBB2_6-.Ltmp6, $4  }
0x28a: {  	v63 =	vmul.f32 v59, v47;
	v1 =	vmax.f32 v37, v1;
	v61 =	vmul.f32 v33, v47  }
0x28b: {  	v25 =	vmax.f32 v35, v62;
	v24 =	vmax.f32 v36, v60;
	v10 =	vpsel p1, v1, v10  }
0x28c: {  	v7 =	vpsel p1, v25, v7;
	v21 =	vmax.f32 v21, v63;
	v31 =	vmax.f32 v34, v61  }
0x28d: {  	v9 =	vpsel p1, v24, v9;
	v6 =	vpsel p1, v21, v6;
	v8 =	vpsel p1, v31, v8  }
0x28e: {  	[tilespmem:$0x19200] =	vst v20  }
0x28f: {  	[tilespmem:$0x19210] =	vst v19  }
0x290: {  	[tilespmem:$0x19220] =	vst v18  }
0x291: {  	[tilespmem:$0x19230] =	vst v17  }
0x292: {  	[tilespmem:$0x19240] =	vst v16  }
0x293: {  	[tilespmem:$0x19250] =	vst v15  }
0x294: {  	[tilespmem:$0x19260] =	vst v14  }
0x295: {  	[tilespmem:$0x19270] =	vst v13  }
0x296: {  	[tilespmem:$0x19280] =	vst v12  }
0x297: {  	[tilespmem:$0x19290] =	vst v11  }
0x298: {  	[tilespmem:$0x192A0] =	vst v10  }
0x299: {  	[tilespmem:$0x192B0] =	vst v9  }
0x29a: {  	[tilespmem:$0x192C0] =	vst v8  }
0x29b: {  	[tilespmem:$0x192D0] =	vst v7  }
0x29c: {  	[tilespmem:$0x192E0] =	vst v6  }
0x29d: {  	[tilespmem:$0x192F0] =	vst v2;
	s0 =	rddreg [dreg:$0x7];
	s6 =	simm.s32 $0x400;
	s7 =	simm.s32 $0x19200  }
0x29e: {  	[hbm4b:s0+s26] =	stream.strided.scatter [tilespmem:s7], [sflag:$0x9], $0x100, s6, s26, $0x38;
	[tilespmem:$0x1BD78] =	vst v63  }
0x29f: {  	_ =	swait.ge [sflag:s18], $0x100  }
0x2a0: {  	[sflag:s18] =	ssyncset.done $0x0  }
0x2a1: {  	s8 =	simm.s32 @!p0 $0x10;
	[sflag:s18] =	ssyncadd.s32 $0xFFFFFF00  }
0x2a2: {  	s17 =	simm.s32 @!p0 $0x1C09;
	s0 =	sshrl.u32 @!p0 s1, $0x3;
	[bflag:$0x0] =	sbarrier.arrive $0xFFFF  }
0x2a3: {  	s6 =	simm.s32 @!p0 $0x1;
	s7 =	simm.s32 @!p0 $0x20;
	s20 =	rddreg [dreg:$0x8]  }
0x2a4: {  	[hbm:s20@s7], [sflag:s17] =	dma.strided @!p0 [spmem:s0@s8], $0x4F0, s6, $0x10   }
0x2a5: {  	s0 =	simm.s32 @!p0 $0x9  }
0x2a6: {  	_ =	swait.ge @!p0 [sflag:s0], $0x4F0  }
0x2a7: {  	s21 =	rddreg [dreg:$0xa]  }
0x2a8: {  	s31 =	rddreg [dreg:$0x9];
	s7 =	sadd.s32 $0x1, s21  }
0x2a9: {  	p1 =	sne.s32 s7, s31  }
.Ltmp7:
0x2aa: {  	_ = 	snop;
	(pc) =	sbr.rel @p1 .LBB2_1-.Ltmp7, $3  }
0x2ab: {  	_ =	sdelay $0x1  }
0x2ac: {  	[sflag:s0] =	ssyncset.done @!p0 $0x0  }
0x2ad: {  	v1 =	vimm.s32 $0x0;
	[sflag:s0] =	ssyncadd.s32 @!p0 $0xFFFFFB10  }
0x2ae: {  	_ =	sfence.sel $0x180000  }
0x2af: {  	[bflag:$0x0] =	sbarrier.arrive $0xFFFF  }
0x2b0: {  	_ =	strace $0x90000047  }
0x2b1: {  	[bflag:$0x2] =	sbarrier.arrive $0xFFFF  }
0x2b2: {  	s0 =	rddreg [dreg:$0x2]  }
0x2b3: {  	s0 =	sadd.s32 @!p0 $0x100000, s0  }
0x2b4: {  	[sflag:s0] =	ssyncadd.tile.s32 @!p0 $0x1;
	_ =	shalt  }
.Lfunc_end2:
_tile_overlayer_lowered:
.L_overlay_start_2:
0x2b5: {  	(tag) =	ssettag $0x2  }
0x2b6: {  	s0 =	rddreg [dreg:$0x0];
	s2 =	stileid.u32  }
0x2b7: {  	s1 =	rddreg [dreg:$0x1];
	p0 =	sne.s32 s2, $0x0  }
0x2b8: {  	s3 =	rddreg [dreg:$0x2];
	[bflag:$0x3] =	sbarrier.arrive $0xFFFF;
	s2 =	simm.s32 @!p0 $0x1C09  }
0x2b9: {  	[timem:s3], [sflag:s2] =	dma.local @!p0 [hbm:s0], s1  }
0x2ba: {  	s0 =	simm.s32 @!p0 $0x9  }
0x2bb: {  	_ =	swait.ge @!p0 [sflag:s0], s1  }
0x2bc: {  	s1 =	ssub.s32 @!p0 $0x0, s1;
	[sflag:s0] =	ssyncset.done @!p0 $0x0  }
0x2bd: {  	[sflag:s0] =	ssyncadd.s32 @!p0 s1  }
0x2be: {  	[bflag:$0x3] =	sbarrier.arrive $0xFFFF  }
0x2bf: {  	_ =	shalt  }

</sc_bundles>
